<compile_context>
chip_gen: v7x
topology: tpu7x:2x2x1
jax: 0.10.2.dev20260603
libtpu: 0.0.44.dev20260713+nightly
codegen_flags: <defaults>
</compile_context>

<pallas_src>
import functools

import jax
import jax.numpy as jnp
from jax import lax
from jax.experimental import pallas as pl
from jax.experimental.pallas import tpu as pltpu
from jax.experimental.pallas import tpu_sc as plsc

NC = 2
NS = 16
LANES = 128
HALF = 64
DPAD = 128
DEGW = 128

_vector_mesh = plsc.VectorSubcoreMesh(
    core_axis_name="core", subcore_axis_name="subcore")


def _round_up(a, b):
    return (a + b - 1) // b * b



def _sc_degree(dstm, ones_row, zeros_nd, *, cpt, np_rows):
    rpt = np_rows // NS

    @functools.partial(
        pl.kernel,
        out_type=jax.ShapeDtypeStruct((NC, np_rows, DEGW), jnp.float32),
        mesh=_vector_mesh,
        scratch_types=[
            pltpu.VMEM((cpt, LANES), jnp.int32),
            pltpu.VMEM((LANES, DEGW), jnp.float32),
            pltpu.VMEM_SHARED((np_rows, DEGW), jnp.float32),
        ],
    )
    def k(dstm_hbm, ones_hbm, zeros_hbm, out_hbm, di, ones_v, acc):
        c = lax.axis_index("core")
        s = lax.axis_index("subcore")
        wid = s * NC + c
        pltpu.sync_copy(dstm_hbm.at[pl.ds(wid * cpt, cpt)], di)
        pltpu.sync_copy(ones_hbm, ones_v)
        pltpu.sync_copy(zeros_hbm.at[pl.ds(s * rpt, rpt)],
                        acc.at[pl.ds(s * rpt, rpt)])
        plsc.subcore_barrier()

        @pl.loop(0, cpt)
        def _(j):
            pltpu.sync_copy(ones_v, acc.at[di.at[j]], add=True)

        plsc.subcore_barrier()
        pltpu.sync_copy(acc.at[pl.ds(s * rpt, rpt)],
                        out_hbm.at[c].at[pl.ds(s * rpt, rpt)])

    return k(dstm, ones_row, zeros_nd)


def _sc_propagate(table, srcm, dstm, zeros_npd, *, cpt, np_rows):
    rpt = np_rows // NS

    @functools.partial(
        pl.kernel,
        out_type=jax.ShapeDtypeStruct((NC, np_rows, DPAD), jnp.float32),
        mesh=_vector_mesh,
        scratch_types=[
            pltpu.VMEM((cpt + 1, LANES), jnp.int32),
            pltpu.VMEM((cpt, LANES), jnp.int32),
            pltpu.VMEM((HALF, DPAD), jnp.float32),
            pltpu.VMEM((HALF, DPAD), jnp.float32),
            pltpu.VMEM_SHARED((np_rows, DPAD), jnp.float32),
            pltpu.SemaphoreType.DMA,
            pltpu.SemaphoreType.DMA,
        ],
    )
    def k(table_hbm, srcm_hbm, dstm_hbm, zeros_hbm, out_hbm,
          si, di, r0, r1, acc, g0, g1):
        c = lax.axis_index("core")
        s = lax.axis_index("subcore")
        wid = s * NC + c
        pltpu.sync_copy(srcm_hbm.at[pl.ds(wid * cpt, cpt)],
                        si.at[pl.ds(0, cpt)])
        pltpu.sync_copy(srcm_hbm.at[pl.ds(wid * cpt, 1)],
                        si.at[pl.ds(cpt, 1)])
        pltpu.sync_copy(dstm_hbm.at[pl.ds(wid * cpt, cpt)], di)
        pltpu.sync_copy(zeros_hbm.at[pl.ds(s * rpt, rpt)],
                        acc.at[pl.ds(s * rpt, rpt)])
        plsc.subcore_barrier()

        pltpu.async_copy(table_hbm.at[si.at[0, pl.ds(0, HALF)]], r0, g0)
        pltpu.async_copy(table_hbm.at[si.at[0, pl.ds(HALF, HALF)]], r1, g1)

        @pl.loop(0, cpt)
        def _(j):
            pltpu.make_async_copy(table_hbm.at[si.at[j, pl.ds(0, HALF)]],
                                  r0, g0).wait()
            pltpu.sync_copy(r0, acc.at[di.at[j, pl.ds(0, HALF)]], add=True)
            pltpu.async_copy(table_hbm.at[si.at[j + 1, pl.ds(0, HALF)]],
                             r0, g0)

            pltpu.make_async_copy(table_hbm.at[si.at[j, pl.ds(HALF, HALF)]],
                                  r1, g1).wait()
            pltpu.sync_copy(r1, acc.at[di.at[j, pl.ds(HALF, HALF)]],
                            add=True)
            pltpu.async_copy(table_hbm.at[si.at[j + 1, pl.ds(HALF, HALF)]],
                             r1, g1)

        pltpu.make_async_copy(table_hbm.at[si.at[0, pl.ds(0, HALF)]],
                              r0, g0).wait()
        pltpu.make_async_copy(table_hbm.at[si.at[0, pl.ds(HALF, HALF)]],
                              r1, g1).wait()

        plsc.subcore_barrier()
        pltpu.sync_copy(acc.at[pl.ds(s * rpt, rpt)],
                        out_hbm.at[c].at[pl.ds(s * rpt, rpt)])

    return k(table, srcm, dstm, zeros_npd)



def _dinv_from(degp_ref, n):
    deg = degp_ref[0, :, 0] + degp_ref[1, :, 0] + 1.0
    return lax.rsqrt(deg)[:n, None]


def _tc1(x, W1, b1, degp):
    n = x.shape[0]
    d1 = W1.shape[1]

    def body(x_ref, w_ref, b_ref, degp_ref, h1s_ref):
        dinv = _dinv_from(degp_ref, n)
        h1 = jnp.dot(x_ref[...], w_ref[...],
                     preferred_element_type=jnp.float32) + b_ref[...]
        h1s_ref[...] = jnp.pad(h1 * dinv, ((0, 0), (0, DPAD - d1)))

    return pl.pallas_call(
        body,
        out_shape=jax.ShapeDtypeStruct((n, DPAD), jnp.float32),
    )(x, W1, b1.reshape(1, -1), degp)


def _tc2(acc1, degp, h1s, W2, b2):
    n = h1s.shape[0]
    d1 = W2.shape[0]
    d2 = W2.shape[1]

    def body(acc_ref, degp_ref, h1s_ref, w_ref, b_ref, out_ref):
        dinv = _dinv_from(degp_ref, n)
        agg = acc_ref[0, :n, :d1] + acc_ref[1, :n, :d1]
        l1 = jnp.maximum(dinv * agg + dinv * h1s_ref[:, :d1], 0.0)
        out2 = jnp.dot(l1, w_ref[...],
                       preferred_element_type=jnp.float32) + b_ref[...]
        out_ref[...] = jnp.pad(out2 * dinv, ((0, 0), (0, DPAD - d2)))

    return pl.pallas_call(
        body,
        out_shape=jax.ShapeDtypeStruct((n, DPAD), jnp.float32),
    )(acc1, degp, h1s, W2, b2.reshape(1, -1))


def _tc3(acc2, degp, out2s, d2):
    n = out2s.shape[0]

    def body(acc_ref, degp_ref, o2s_ref, out_ref):
        dinv = _dinv_from(degp_ref, n)
        agg = acc_ref[0, :n, :d2] + acc_ref[1, :n, :d2]
        out_ref[...] = dinv * agg + dinv * o2s_ref[:, :d2]

    return pl.pallas_call(
        body,
        out_shape=jax.ShapeDtypeStruct((n, d2), jnp.float32),
    )(acc2, degp, out2s)



def kernel(x, edge_index, W1, b1, W2, b2):
    n = x.shape[0]
    e = edge_index.shape[1]
    d2 = W2.shape[1]

    np_rows = _round_up(n + 1, NS * 8)
    nchunks = _round_up(e, LANES) // LANES
    cpt = _round_up(-(-nchunks // (NC * NS)), 8)
    e_pad = NC * NS * cpt * LANES

    src = edge_index[0].astype(jnp.int32)
    dst = edge_index[1].astype(jnp.int32)
    src = jnp.concatenate([src, jnp.zeros((e_pad - e,), jnp.int32)])
    dst = jnp.concatenate([dst, jnp.full((e_pad - e,), n, jnp.int32)])
    srcm = src.reshape(-1, LANES)
    dstm = dst.reshape(-1, LANES)

    ones_row = jnp.ones((LANES, DEGW), jnp.float32)
    zeros_deg = jnp.zeros((np_rows, DEGW), jnp.float32)
    zeros_d = jnp.zeros((np_rows, DPAD), jnp.float32)

    degp = _sc_degree(dstm, ones_row, zeros_deg, cpt=cpt, np_rows=np_rows)
    h1s = _tc1(x, W1, b1, degp)
    acc1 = _sc_propagate(h1s, srcm, dstm, zeros_d, cpt=cpt, np_rows=np_rows)
    out2s = _tc2(acc1, degp, h1s, W2, b2)
    acc2 = _sc_propagate(out2s, srcm, dstm, zeros_d, cpt=cpt, np_rows=np_rows)
    return _tc3(acc2, degp, out2s, d2)

# --- scband reference (transcript-rebuilt; emitter-appended) ---
"""Pipeline reference for scband-qgnn-88905823027427 (READ-ONLY COPY).

The authoritative reference and input builder live on the scoring server;
editing this copy changes nothing except your own understanding.
"""

import jax, jax.numpy as jnp
import numpy as np

N_NODES = 10000
N_EDGES = 320000
IN_DIM = 128
HIDDEN = 16
NUM_CLASSES = 40


def gcn_propagate(h, edge_index, n_nodes):
    # GCN aggregation with added self-loops and symmetric degree normalization
    src = edge_index[0]
    dst = edge_index[1]
    loop = jnp.arange(n_nodes, dtype=src.dtype)
    src = jnp.concatenate([src, loop])
    dst = jnp.concatenate([dst, loop])
    deg = jnp.zeros((n_nodes,), dtype=h.dtype).at[dst].add(1.0)
    dinv = jax.lax.rsqrt(deg)
    norm = dinv[src] * dinv[dst]
    msg = h[src] * norm[:, None]
    out = jnp.zeros((n_nodes, h.shape[1]), dtype=h.dtype).at[dst].add(msg)
    return out


def setup_inputs(seed: int = 0) -> dict:
    key = jax.random.key(seed)
    k1, k2, k3, k4, k5, k6 = jax.random.split(key, 6)
    x = jax.random.normal(k1, (N_NODES, IN_DIM), dtype=jnp.float32)
    edge_index = jax.random.randint(k2, (2, N_EDGES), 0, N_NODES, dtype=jnp.int64)
    s1 = 1.0 / np.sqrt(IN_DIM)
    s2 = 1.0 / np.sqrt(HIDDEN)
    W1 = jax.random.uniform(k3, (IN_DIM, HIDDEN), jnp.float32, -s1, s1)
    b1 = jax.random.uniform(k4, (HIDDEN,), jnp.float32, -s1, s1)
    W2 = jax.random.uniform(k5, (HIDDEN, NUM_CLASSES), jnp.float32, -s2, s2)
    b2 = jax.random.uniform(k6, (NUM_CLASSES,), jnp.float32, -s2, s2)
    return {"x": x, "edge_index": edge_index, "W1": W1, "b1": b1, "W2": W2, "b2": b2}


def reference(x, edge_index, W1, b1, W2, b2):
    # Layer 1: QGCNLayer(input_dim -> hidden_dim), quat=False path => linear + GCN aggregate + ReLU
    # Dropout is identity in eval mode.
    h = x @ W1 + b1
    h = gcn_propagate(h, edge_index, x.shape[0])
    h = jax.nn.relu(h)
    # Layer 2 (output): QGCNLayer(hidden_dim -> num_classes, quaternion_ff=False), no activation
    out = h @ W2 + b2
    out = gcn_propagate(out, edge_index, x.shape[0])
    return out

if __name__ == "__main__":
    import jax
    _d = setup_inputs()
    print(jax.jit(kernel)(*tuple(_d.values())))

</pallas_src>

<mosaic_0001>
#map = affine_map<(d0, d1) -> (0, 0)>
#map1 = affine_map<(d0, d1) -> (0, 0, 0)>
module attributes {stable_mosaic.version = 14 : i64} {
  func.func @k(%arg0: i32, %arg1: i32, %arg2: memref<2560x128xi32, #tpu.memory_space<hbm>>, %arg3: memref<128x128xf32, #tpu.memory_space<hbm>>, %arg4: memref<10112x128xf32, #tpu.memory_space<hbm>>, %arg5: memref<2x10112x128xf32, #tpu.memory_space<hbm>>, %arg6: memref<80x128xi32, #tpu.memory_space<vmem>>, %arg7: memref<128x128xf32, #tpu.memory_space<vmem>>, %arg8: memref<10112x128xf32, #tpu.memory_space<vmem_shared>>) attributes {dimension_semantics = [#tpu.dimension_semantics<core_parallel>, #tpu.dimension_semantics<subcore_parallel>], iteration_bounds = array<i64: 2, 16>, scalar_prefetch = 0 : i64, scratch_operands = 3 : i64, tpu.core_type = #tpu.core_type<sc_vector_subcore>, window_params = [{transform_indices = #map}, {transform_indices = #map}, {transform_indices = #map}, {transform_indices = #map1}]} {
    %mul3A = arith.constant 2 : i32
    %mul3A_0 = arith.muli %arg1, %mul3A : i32
    %add3A = arith.addi %mul3A_0, %arg0 : i32
    %mul3A_1 = arith.constant 80 : i32
    %mul3A_2 = arith.muli %add3A, %mul3A_1 : i32
    "tpu.region"() ({
      %run_scoped3A = tpu.sem_alloc : memref<!tpu.dma_semaphore, #tpu.memory_space<semaphore_mem>>
      %dma_start3A = arith.constant 0 : i32
      %dma_start3A_16 = tpu.memref_slice %arg2[%mul3A_2, %dma_start3A] : memref<2560x128xi32, #tpu.memory_space<hbm>> -> memref<80x128xi32, #tpu.memory_space<hbm>>
      %dma_start3A_17 = arith.constant 0 : i32
      %dma_start3A_18 = tpu.memref_slice %arg2[%mul3A_2, %dma_start3A_17] : memref<2560x128xi32, #tpu.memory_space<hbm>> -> memref<80x128xi32, #tpu.memory_space<hbm>>
      tpu.enqueue_dma source(%dma_start3A_18 : memref<80x128xi32, #tpu.memory_space<hbm>>) target(%arg6 : memref<80x128xi32, #tpu.memory_space<vmem>>) target_semaphore(%run_scoped3A : memref<!tpu.dma_semaphore, #tpu.memory_space<semaphore_mem>>)
      %dma_wait3A = arith.constant 0 : i32
      %dma_wait3A_19 = tpu.memref_slice %arg2[%mul3A_2, %dma_wait3A] : memref<2560x128xi32, #tpu.memory_space<hbm>> -> memref<80x128xi32, #tpu.memory_space<hbm>>
      %dma_wait3A_20 = arith.constant 0 : i32
      %dma_wait3A_21 = tpu.memref_slice %arg2[%mul3A_2, %dma_wait3A_20] : memref<2560x128xi32, #tpu.memory_space<hbm>> -> memref<80x128xi32, #tpu.memory_space<hbm>>
      tpu.wait_dma2 semaphore(%run_scoped3A : memref<!tpu.dma_semaphore, #tpu.memory_space<semaphore_mem>>) src(%dma_wait3A_21 : memref<80x128xi32, #tpu.memory_space<hbm>>) dst(%arg6 : memref<80x128xi32, #tpu.memory_space<vmem>>)
      tpu.yield
    }) : () -> ()
    "tpu.region"() ({
      %run_scoped3A = tpu.sem_alloc : memref<!tpu.dma_semaphore, #tpu.memory_space<semaphore_mem>>
      tpu.enqueue_dma source(%arg3 : memref<128x128xf32, #tpu.memory_space<hbm>>) target(%arg7 : memref<128x128xf32, #tpu.memory_space<vmem>>) target_semaphore(%run_scoped3A : memref<!tpu.dma_semaphore, #tpu.memory_space<semaphore_mem>>)
      tpu.wait_dma2 semaphore(%run_scoped3A : memref<!tpu.dma_semaphore, #tpu.memory_space<semaphore_mem>>) src(%arg3 : memref<128x128xf32, #tpu.memory_space<hbm>>) dst(%arg7 : memref<128x128xf32, #tpu.memory_space<vmem>>)
      tpu.yield
    }) : () -> ()
    %mul3A_3 = arith.constant 632 : i32
    %mul3A_4 = arith.muli %arg1, %mul3A_3 : i32
    %mul3A_5 = arith.constant 632 : i32
    %mul3A_6 = arith.muli %arg1, %mul3A_5 : i32
    "tpu.region"() ({
      %run_scoped3A = tpu.sem_alloc : memref<!tpu.dma_semaphore, #tpu.memory_space<semaphore_mem>>
      %dma_start3A = arith.constant 0 : i32
      %dma_start3A_16 = tpu.memref_slice %arg8[%mul3A_6, %dma_start3A] : memref<10112x128xf32, #tpu.memory_space<vmem_shared>> -> memref<632x128xf32, #tpu.memory_space<vmem_shared>>
      %dma_start3A_17 = arith.constant 0 : i32
      %dma_start3A_18 = tpu.memref_slice %arg4[%mul3A_4, %dma_start3A_17] : memref<10112x128xf32, #tpu.memory_space<hbm>> -> memref<632x128xf32, #tpu.memory_space<hbm>>
      tpu.enqueue_dma source(%dma_start3A_18 : memref<632x128xf32, #tpu.memory_space<hbm>>) target(%dma_start3A_16 : memref<632x128xf32, #tpu.memory_space<vmem_shared>>) target_semaphore(%run_scoped3A : memref<!tpu.dma_semaphore, #tpu.memory_space<semaphore_mem>>)
      %dma_wait3A = arith.constant 0 : i32
      %dma_wait3A_19 = tpu.memref_slice %arg8[%mul3A_6, %dma_wait3A] : memref<10112x128xf32, #tpu.memory_space<vmem_shared>> -> memref<632x128xf32, #tpu.memory_space<vmem_shared>>
      %dma_wait3A_20 = arith.constant 0 : i32
      %dma_wait3A_21 = tpu.memref_slice %arg4[%mul3A_4, %dma_wait3A_20] : memref<10112x128xf32, #tpu.memory_space<hbm>> -> memref<632x128xf32, #tpu.memory_space<hbm>>
      tpu.wait_dma2 semaphore(%run_scoped3A : memref<!tpu.dma_semaphore, #tpu.memory_space<semaphore_mem>>) src(%dma_wait3A_21 : memref<632x128xf32, #tpu.memory_space<hbm>>) dst(%dma_wait3A_19 : memref<632x128xf32, #tpu.memory_space<vmem_shared>>)
      tpu.yield
    }) : () -> ()
    %barrier3A = arith.constant 0 : index
    tpu.barrier barrier_id(%barrier3A)
    %scan3A = arith.constant 0 : i32
    %scan3A_7 = arith.constant 80 : i32
    %scan3A_8 = arith.addi %scan3A, %scan3A_7 : i32
    %scan3A_9 = arith.constant 1 : i32
    scf.for %scan3A_16 = %scan3A to %scan3A_8 step %scan3A_9  : i32 {
      %mul3A_17 = arith.constant 1 : i32
      %mul3A_18 = arith.muli %scan3A_16, %mul3A_17 : i32
      %add3A_19 = arith.constant 0 : i32
      %add3A_20 = arith.addi %add3A_19, %mul3A_18 : i32
      "tpu.region"() ({
        %run_scoped3A = tpu.sem_alloc : memref<!tpu.dma_semaphore, #tpu.memory_space<semaphore_mem>>
        %dma_start3A = arith.constant 0 : i32
        %dma_start3A_21 = tpu.memref_slice %arg6[%add3A_20, %dma_start3A] : memref<80x128xi32, #tpu.memory_space<vmem>> -> memref<1x128xi32, #tpu.memory_space<vmem>>
        %dma_start3A_22 = tpu.memref_squeeze %dma_start3A_21 : memref<1x128xi32, #tpu.memory_space<vmem>> -> memref<128xi32, #tpu.memory_space<vmem>>
        %dma_start3A_23 = arith.constant 0 : i32
        %dma_start3A_24 = arith.constant 0 : i32
        %dma_start3A_25 = tpu.memref_slice %arg8[%dma_start3A_23, %dma_start3A_24] : memref<10112x128xf32, #tpu.memory_space<vmem_shared>> -> memref<10112x128xf32, #tpu.memory_space<vmem_shared>>
        tpu.enqueue_indirect_dma source(%arg7 : memref<128x128xf32, #tpu.memory_space<vmem>>) target(%dma_start3A_25 : memref<10112x128xf32, #tpu.memory_space<vmem_shared>>) offsets(%dma_start3A_22 : memref<128xi32, #tpu.memory_space<vmem>>) semaphore(%run_scoped3A : memref<!tpu.dma_semaphore, #tpu.memory_space<semaphore_mem>>) {add = true}
        %dma_wait3A = arith.constant 0 : i32
        %dma_wait3A_26 = tpu.memref_slice %arg6[%add3A_20, %dma_wait3A] : memref<80x128xi32, #tpu.memory_space<vmem>> -> memref<1x128xi32, #tpu.memory_space<vmem>>
        %dma_wait3A_27 = tpu.memref_squeeze %dma_wait3A_26 : memref<1x128xi32, #tpu.memory_space<vmem>> -> memref<128xi32, #tpu.memory_space<vmem>>
        %dma_wait3A_28 = arith.constant 0 : i32
        %dma_wait3A_29 = arith.constant 0 : i32
        %dma_wait3A_30 = tpu.memref_slice %arg8[%dma_wait3A_28, %dma_wait3A_29] : memref<10112x128xf32, #tpu.memory_space<vmem_shared>> -> memref<10112x128xf32, #tpu.memory_space<vmem_shared>>
        tpu.wait_indirect_dma semaphore(%run_scoped3A : memref<!tpu.dma_semaphore, #tpu.memory_space<semaphore_mem>>) src(%arg7 : memref<128x128xf32, #tpu.memory_space<vmem>>) dst(%dma_wait3A_30 : memref<10112x128xf32, #tpu.memory_space<vmem_shared>>)
        tpu.yield
      }) : () -> ()
    }
    %scan3A_10 = arith.constant 80 : i32
    %barrier3A_11 = arith.constant 0 : index
    tpu.barrier barrier_id(%barrier3A_11)
    %mul3A_12 = arith.constant 632 : i32
    %mul3A_13 = arith.muli %arg1, %mul3A_12 : i32
    %mul3A_14 = arith.constant 632 : i32
    %mul3A_15 = arith.muli %arg1, %mul3A_14 : i32
    "tpu.region"() ({
      %run_scoped3A = tpu.sem_alloc : memref<!tpu.dma_semaphore, #tpu.memory_space<semaphore_mem>>
      %dma_start3A = arith.constant 0 : i32
      %dma_start3A_16 = arith.constant 0 : i32
      %dma_start3A_17 = tpu.memref_slice %arg5[%arg0, %dma_start3A, %dma_start3A_16] : memref<2x10112x128xf32, #tpu.memory_space<hbm>> -> memref<1x10112x128xf32, #tpu.memory_space<hbm>>
      %dma_start3A_18 = tpu.memref_squeeze %dma_start3A_17 : memref<1x10112x128xf32, #tpu.memory_space<hbm>> -> memref<10112x128xf32, #tpu.memory_space<hbm>>
      %dma_start3A_19 = arith.constant 0 : i32
      %dma_start3A_20 = tpu.memref_slice %dma_start3A_18[%mul3A_15, %dma_start3A_19] : memref<10112x128xf32, #tpu.memory_space<hbm>> -> memref<632x128xf32, #tpu.memory_space<hbm>>
      %dma_start3A_21 = arith.constant 0 : i32
      %dma_start3A_22 = tpu.memref_slice %arg8[%mul3A_13, %dma_start3A_21] : memref<10112x128xf32, #tpu.memory_space<vmem_shared>> -> memref<632x128xf32, #tpu.memory_space<vmem_shared>>
      tpu.enqueue_dma source(%dma_start3A_22 : memref<632x128xf32, #tpu.memory_space<vmem_shared>>) target(%dma_start3A_20 : memref<632x128xf32, #tpu.memory_space<hbm>>) target_semaphore(%run_scoped3A : memref<!tpu.dma_semaphore, #tpu.memory_space<semaphore_mem>>)
      %dma_wait3A = arith.constant 0 : i32
      %dma_wait3A_23 = arith.constant 0 : i32
      %dma_wait3A_24 = tpu.memref_slice %arg5[%arg0, %dma_wait3A, %dma_wait3A_23] : memref<2x10112x128xf32, #tpu.memory_space<hbm>> -> memref<1x10112x128xf32, #tpu.memory_space<hbm>>
      %dma_wait3A_25 = tpu.memref_squeeze %dma_wait3A_24 : memref<1x10112x128xf32, #tpu.memory_space<hbm>> -> memref<10112x128xf32, #tpu.memory_space<hbm>>
      %dma_wait3A_26 = arith.constant 0 : i32
      %dma_wait3A_27 = tpu.memref_slice %dma_wait3A_25[%mul3A_15, %dma_wait3A_26] : memref<10112x128xf32, #tpu.memory_space<hbm>> -> memref<632x128xf32, #tpu.memory_space<hbm>>
      %dma_wait3A_28 = arith.constant 0 : i32
      %dma_wait3A_29 = tpu.memref_slice %arg8[%mul3A_13, %dma_wait3A_28] : memref<10112x128xf32, #tpu.memory_space<vmem_shared>> -> memref<632x128xf32, #tpu.memory_space<vmem_shared>>
      tpu.wait_dma2 semaphore(%run_scoped3A : memref<!tpu.dma_semaphore, #tpu.memory_space<semaphore_mem>>) src(%dma_wait3A_29 : memref<632x128xf32, #tpu.memory_space<vmem_shared>>) dst(%dma_wait3A_27 : memref<632x128xf32, #tpu.memory_space<hbm>>)
      tpu.yield
    }) : () -> ()
    return
  }
}

#map = affine_map<(d0, d1) -> (0, 0)>
#map1 = affine_map<(d0, d1) -> (0, 0, 0)>
module attributes {stable_mosaic.version = 14 : i64} {
  func.func @k(%arg0: i32, %arg1: i32, %arg2: memref<10000x128xf32, #tpu.memory_space<hbm>>, %arg3: memref<2560x128xi32, #tpu.memory_space<hbm>>, %arg4: memref<2560x128xi32, #tpu.memory_space<hbm>>, %arg5: memref<10112x128xf32, #tpu.memory_space<hbm>>, %arg6: memref<2x10112x128xf32, #tpu.memory_space<hbm>>, %arg7: memref<81x128xi32, #tpu.memory_space<vmem>>, %arg8: memref<80x128xi32, #tpu.memory_space<vmem>>, %arg9: memref<64x128xf32, #tpu.memory_space<vmem>>, %arg10: memref<64x128xf32, #tpu.memory_space<vmem>>, %arg11: memref<10112x128xf32, #tpu.memory_space<vmem_shared>>, %arg12: memref<!tpu.dma_semaphore, #tpu.memory_space<semaphore_mem>>, %arg13: memref<!tpu.dma_semaphore, #tpu.memory_space<semaphore_mem>>) attributes {dimension_semantics = [#tpu.dimension_semantics<core_parallel>, #tpu.dimension_semantics<subcore_parallel>], iteration_bounds = array<i64: 2, 16>, scalar_prefetch = 0 : i64, scratch_operands = 7 : i64, tpu.core_type = #tpu.core_type<sc_vector_subcore>, window_params = [{transform_indices = #map}, {transform_indices = #map}, {transform_indices = #map}, {transform_indices = #map}, {transform_indices = #map1}]} {
    %mul3A = arith.constant 2 : i32
    %mul3A_0 = arith.muli %arg1, %mul3A : i32
    %add3A = arith.addi %mul3A_0, %arg0 : i32
    %mul3A_1 = arith.constant 80 : i32
    %mul3A_2 = arith.muli %add3A, %mul3A_1 : i32
    "tpu.region"() ({
      %run_scoped3A = tpu.sem_alloc : memref<!tpu.dma_semaphore, #tpu.memory_space<semaphore_mem>>
      %dma_start3A_46 = arith.constant 0 : i32
      %dma_start3A_47 = arith.constant 0 : i32
      %dma_start3A_48 = tpu.memref_slice %arg7[%dma_start3A_46, %dma_start3A_47] : memref<81x128xi32, #tpu.memory_space<vmem>> -> memref<80x128xi32, #tpu.memory_space<vmem>>
      %dma_start3A_49 = arith.constant 0 : i32
      %dma_start3A_50 = tpu.memref_slice %arg3[%mul3A_2, %dma_start3A_49] : memref<2560x128xi32, #tpu.memory_space<hbm>> -> memref<80x128xi32, #tpu.memory_space<hbm>>
      %dma_start3A_51 = arith.constant 0 : i32
      %dma_start3A_52 = arith.constant 0 : i32
      %dma_start3A_53 = tpu.memref_slice %arg7[%dma_start3A_51, %dma_start3A_52] : memref<81x128xi32, #tpu.memory_space<vmem>> -> memref<80x128xi32, #tpu.memory_space<vmem>>
      %dma_start3A_54 = arith.constant 0 : i32
      %dma_start3A_55 = tpu.memref_slice %arg3[%mul3A_2, %dma_start3A_54] : memref<2560x128xi32, #tpu.memory_space<hbm>> -> memref<80x128xi32, #tpu.memory_space<hbm>>
      tpu.enqueue_dma source(%dma_start3A_55 : memref<80x128xi32, #tpu.memory_space<hbm>>) target(%dma_start3A_53 : memref<80x128xi32, #tpu.memory_space<vmem>>) target_semaphore(%run_scoped3A : memref<!tpu.dma_semaphore, #tpu.memory_space<semaphore_mem>>)
      %dma_wait3A_56 = arith.constant 0 : i32
      %dma_wait3A_57 = arith.constant 0 : i32
      %dma_wait3A_58 = tpu.memref_slice %arg7[%dma_wait3A_56, %dma_wait3A_57] : memref<81x128xi32, #tpu.memory_space<vmem>> -> memref<80x128xi32, #tpu.memory_space<vmem>>
      %dma_wait3A_59 = arith.constant 0 : i32
      %dma_wait3A_60 = tpu.memref_slice %arg3[%mul3A_2, %dma_wait3A_59] : memref<2560x128xi32, #tpu.memory_space<hbm>> -> memref<80x128xi32, #tpu.memory_space<hbm>>
      %dma_wait3A_61 = arith.constant 0 : i32
      %dma_wait3A_62 = arith.constant 0 : i32
      %dma_wait3A_63 = tpu.memref_slice %arg7[%dma_wait3A_61, %dma_wait3A_62] : memref<81x128xi32, #tpu.memory_space<vmem>> -> memref<80x128xi32, #tpu.memory_space<vmem>>
      %dma_wait3A_64 = arith.constant 0 : i32
      %dma_wait3A_65 = tpu.memref_slice %arg3[%mul3A_2, %dma_wait3A_64] : memref<2560x128xi32, #tpu.memory_space<hbm>> -> memref<80x128xi32, #tpu.memory_space<hbm>>
      tpu.wait_dma2 semaphore(%run_scoped3A : memref<!tpu.dma_semaphore, #tpu.memory_space<semaphore_mem>>) src(%dma_wait3A_65 : memref<80x128xi32, #tpu.memory_space<hbm>>) dst(%dma_wait3A_63 : memref<80x128xi32, #tpu.memory_space<vmem>>)
      tpu.yield
    }) : () -> ()
    %mul3A_3 = arith.constant 80 : i32
    %mul3A_4 = arith.muli %add3A, %mul3A_3 : i32
    "tpu.region"() ({
      %run_scoped3A = tpu.sem_alloc : memref<!tpu.dma_semaphore, #tpu.memory_space<semaphore_mem>>
      %dma_start3A_46 = arith.constant 80 : i32
      %dma_start3A_47 = arith.constant 0 : i32
      %dma_start3A_48 = tpu.memref_slice %arg7[%dma_start3A_46, %dma_start3A_47] : memref<81x128xi32, #tpu.memory_space<vmem>> -> memref<1x128xi32, #tpu.memory_space<vmem>>
      %dma_start3A_49 = arith.constant 0 : i32
      %dma_start3A_50 = tpu.memref_slice %arg3[%mul3A_4, %dma_start3A_49] : memref<2560x128xi32, #tpu.memory_space<hbm>> -> memref<1x128xi32, #tpu.memory_space<hbm>>
      %dma_start3A_51 = arith.constant 80 : i32
      %dma_start3A_52 = arith.constant 0 : i32
      %dma_start3A_53 = tpu.memref_slice %arg7[%dma_start3A_51, %dma_start3A_52] : memref<81x128xi32, #tpu.memory_space<vmem>> -> memref<1x128xi32, #tpu.memory_space<vmem>>
      %dma_start3A_54 = arith.constant 0 : i32
      %dma_start3A_55 = tpu.memref_slice %arg3[%mul3A_4, %dma_start3A_54] : memref<2560x128xi32, #tpu.memory_space<hbm>> -> memref<1x128xi32, #tpu.memory_space<hbm>>
      tpu.enqueue_dma source(%dma_start3A_55 : memref<1x128xi32, #tpu.memory_space<hbm>>) target(%dma_start3A_53 : memref<1x128xi32, #tpu.memory_space<vmem>>) target_semaphore(%run_scoped3A : memref<!tpu.dma_semaphore, #tpu.memory_space<semaphore_mem>>)
      %dma_wait3A_56 = arith.constant 80 : i32
      %dma_wait3A_57 = arith.constant 0 : i32
      %dma_wait3A_58 = tpu.memref_slice %arg7[%dma_wait3A_56, %dma_wait3A_57] : memref<81x128xi32, #tpu.memory_space<vmem>> -> memref<1x128xi32, #tpu.memory_space<vmem>>
      %dma_wait3A_59 = arith.constant 0 : i32
      %dma_wait3A_60 = tpu.memref_slice %arg3[%mul3A_4, %dma_wait3A_59] : memref<2560x128xi32, #tpu.memory_space<hbm>> -> memref<1x128xi32, #tpu.memory_space<hbm>>
      %dma_wait3A_61 = arith.constant 80 : i32
      %dma_wait3A_62 = arith.constant 0 : i32
      %dma_wait3A_63 = tpu.memref_slice %arg7[%dma_wait3A_61, %dma_wait3A_62] : memref<81x128xi32, #tpu.memory_space<vmem>> -> memref<1x128xi32, #tpu.memory_space<vmem>>
      %dma_wait3A_64 = arith.constant 0 : i32
      %dma_wait3A_65 = tpu.memref_slice %arg3[%mul3A_4, %dma_wait3A_64] : memref<2560x128xi32, #tpu.memory_space<hbm>> -> memref<1x128xi32, #tpu.memory_space<hbm>>
      tpu.wait_dma2 semaphore(%run_scoped3A : memref<!tpu.dma_semaphore, #tpu.memory_space<semaphore_mem>>) src(%dma_wait3A_65 : memref<1x128xi32, #tpu.memory_space<hbm>>) dst(%dma_wait3A_63 : memref<1x128xi32, #tpu.memory_space<vmem>>)
      tpu.yield
    }) : () -> ()
    %mul3A_5 = arith.constant 80 : i32
    %mul3A_6 = arith.muli %add3A, %mul3A_5 : i32
    "tpu.region"() ({
      %run_scoped3A = tpu.sem_alloc : memref<!tpu.dma_semaphore, #tpu.memory_space<semaphore_mem>>
      %dma_start3A_46 = arith.constant 0 : i32
      %dma_start3A_47 = tpu.memref_slice %arg4[%mul3A_6, %dma_start3A_46] : memref<2560x128xi32, #tpu.memory_space<hbm>> -> memref<80x128xi32, #tpu.memory_space<hbm>>
      %dma_start3A_48 = arith.constant 0 : i32
      %dma_start3A_49 = tpu.memref_slice %arg4[%mul3A_6, %dma_start3A_48] : memref<2560x128xi32, #tpu.memory_space<hbm>> -> memref<80x128xi32, #tpu.memory_space<hbm>>
      tpu.enqueue_dma source(%dma_start3A_49 : memref<80x128xi32, #tpu.memory_space<hbm>>) target(%arg8 : memref<80x128xi32, #tpu.memory_space<vmem>>) target_semaphore(%run_scoped3A : memref<!tpu.dma_semaphore, #tpu.memory_space<semaphore_mem>>)
      %dma_wait3A_50 = arith.constant 0 : i32
      %dma_wait3A_51 = tpu.memref_slice %arg4[%mul3A_6, %dma_wait3A_50] : memref<2560x128xi32, #tpu.memory_space<hbm>> -> memref<80x128xi32, #tpu.memory_space<hbm>>
      %dma_wait3A_52 = arith.constant 0 : i32
      %dma_wait3A_53 = tpu.memref_slice %arg4[%mul3A_6, %dma_wait3A_52] : memref<2560x128xi32, #tpu.memory_space<hbm>> -> memref<80x128xi32, #tpu.memory_space<hbm>>
      tpu.wait_dma2 semaphore(%run_scoped3A : memref<!tpu.dma_semaphore, #tpu.memory_space<semaphore_mem>>) src(%dma_wait3A_53 : memref<80x128xi32, #tpu.memory_space<hbm>>) dst(%arg8 : memref<80x128xi32, #tpu.memory_space<vmem>>)
      tpu.yield
    }) : () -> ()
    %mul3A_7 = arith.constant 632 : i32
    %mul3A_8 = arith.muli %arg1, %mul3A_7 : i32
    %mul3A_9 = arith.constant 632 : i32
    %mul3A_10 = arith.muli %arg1, %mul3A_9 : i32
    "tpu.region"() ({
      %run_scoped3A = tpu.sem_alloc : memref<!tpu.dma_semaphore, #tpu.memory_space<semaphore_mem>>
      %dma_start3A_46 = arith.constant 0 : i32
      %dma_start3A_47 = tpu.memref_slice %arg11[%mul3A_10, %dma_start3A_46] : memref<10112x128xf32, #tpu.memory_space<vmem_shared>> -> memref<632x128xf32, #tpu.memory_space<vmem_shared>>
      %dma_start3A_48 = arith.constant 0 : i32
      %dma_start3A_49 = tpu.memref_slice %arg5[%mul3A_8, %dma_start3A_48] : memref<10112x128xf32, #tpu.memory_space<hbm>> -> memref<632x128xf32, #tpu.memory_space<hbm>>
      tpu.enqueue_dma source(%dma_start3A_49 : memref<632x128xf32, #tpu.memory_space<hbm>>) target(%dma_start3A_47 : memref<632x128xf32, #tpu.memory_space<vmem_shared>>) target_semaphore(%run_scoped3A : memref<!tpu.dma_semaphore, #tpu.memory_space<semaphore_mem>>)
      %dma_wait3A_50 = arith.constant 0 : i32
      %dma_wait3A_51 = tpu.memref_slice %arg11[%mul3A_10, %dma_wait3A_50] : memref<10112x128xf32, #tpu.memory_space<vmem_shared>> -> memref<632x128xf32, #tpu.memory_space<vmem_shared>>
      %dma_wait3A_52 = arith.constant 0 : i32
      %dma_wait3A_53 = tpu.memref_slice %arg5[%mul3A_8, %dma_wait3A_52] : memref<10112x128xf32, #tpu.memory_space<hbm>> -> memref<632x128xf32, #tpu.memory_space<hbm>>
      tpu.wait_dma2 semaphore(%run_scoped3A : memref<!tpu.dma_semaphore, #tpu.memory_space<semaphore_mem>>) src(%dma_wait3A_53 : memref<632x128xf32, #tpu.memory_space<hbm>>) dst(%dma_wait3A_51 : memref<632x128xf32, #tpu.memory_space<vmem_shared>>)
      tpu.yield
    }) : () -> ()
    %barrier3A = arith.constant 0 : index
    tpu.barrier barrier_id(%barrier3A)
    %dma_start3A = arith.constant 0 : i32
    %dma_start3A_11 = arith.constant 0 : i32
    %dma_start3A_12 = tpu.memref_slice %arg7[%dma_start3A, %dma_start3A_11] : memref<81x128xi32, #tpu.memory_space<vmem>> -> memref<1x64xi32, #tpu.memory_space<vmem>>
    %dma_start3A_13 = tpu.memref_squeeze %dma_start3A_12 : memref<1x64xi32, #tpu.memory_space<vmem>> -> memref<64xi32, #tpu.memory_space<vmem>>
    %dma_start3A_14 = arith.constant 0 : i32
    %dma_start3A_15 = arith.constant 0 : i32
    %dma_start3A_16 = tpu.memref_slice %arg2[%dma_start3A_14, %dma_start3A_15] : memref<10000x128xf32, #tpu.memory_space<hbm>> -> memref<10000x128xf32, #tpu.memory_space<hbm>>
    tpu.enqueue_indirect_dma source(%dma_start3A_16 : memref<10000x128xf32, #tpu.memory_space<hbm>>) target(%arg9 : memref<64x128xf32, #tpu.memory_space<vmem>>) offsets(%dma_start3A_13 : memref<64xi32, #tpu.memory_space<vmem>>) semaphore(%arg12 : memref<!tpu.dma_semaphore, #tpu.memory_space<semaphore_mem>>)
    %dma_start3A_17 = arith.constant 0 : i32
    %dma_start3A_18 = arith.constant 64 : i32
    %dma_start3A_19 = tpu.memref_slice %arg7[%dma_start3A_17, %dma_start3A_18] : memref<81x128xi32, #tpu.memory_space<vmem>> -> memref<1x64xi32, #tpu.memory_space<vmem>>
    %dma_start3A_20 = tpu.memref_squeeze %dma_start3A_19 : memref<1x64xi32, #tpu.memory_space<vmem>> -> memref<64xi32, #tpu.memory_space<vmem>>
    %dma_start3A_21 = arith.constant 0 : i32
    %dma_start3A_22 = arith.constant 0 : i32
    %dma_start3A_23 = tpu.memref_slice %arg2[%dma_start3A_21, %dma_start3A_22] : memref<10000x128xf32, #tpu.memory_space<hbm>> -> memref<10000x128xf32, #tpu.memory_space<hbm>>
    tpu.enqueue_indirect_dma source(%dma_start3A_23 : memref<10000x128xf32, #tpu.memory_space<hbm>>) target(%arg10 : memref<64x128xf32, #tpu.memory_space<vmem>>) offsets(%dma_start3A_20 : memref<64xi32, #tpu.memory_space<vmem>>) semaphore(%arg13 : memref<!tpu.dma_semaphore, #tpu.memory_space<semaphore_mem>>)
    %scan3A = arith.constant 0 : i32
    %scan3A_24 = arith.constant 80 : i32
    %scan3A_25 = arith.addi %scan3A, %scan3A_24 : i32
    %scan3A_26 = arith.constant 1 : i32
    scf.for %scan3A_46 = %scan3A to %scan3A_25 step %scan3A_26  : i32 {
      %mul3A_47 = arith.constant 1 : i32
      %mul3A_48 = arith.muli %scan3A_46, %mul3A_47 : i32
      %add3A_49 = arith.constant 0 : i32
      %add3A_50 = arith.addi %add3A_49, %mul3A_48 : i32
      %dma_wait3A_51 = arith.constant 0 : i32
      %dma_wait3A_52 = tpu.memref_slice %arg7[%add3A_50, %dma_wait3A_51] : memref<81x128xi32, #tpu.memory_space<vmem>> -> memref<1x64xi32, #tpu.memory_space<vmem>>
      %dma_wait3A_53 = tpu.memref_squeeze %dma_wait3A_52 : memref<1x64xi32, #tpu.memory_space<vmem>> -> memref<64xi32, #tpu.memory_space<vmem>>
      %dma_wait3A_54 = arith.constant 0 : i32
      %dma_wait3A_55 = arith.constant 0 : i32
      %dma_wait3A_56 = tpu.memref_slice %arg2[%dma_wait3A_54, %dma_wait3A_55] : memref<10000x128xf32, #tpu.memory_space<hbm>> -> memref<10000x128xf32, #tpu.memory_space<hbm>>
      tpu.wait_indirect_dma semaphore(%arg12 : memref<!tpu.dma_semaphore, #tpu.memory_space<semaphore_mem>>) src(%dma_wait3A_56 : memref<10000x128xf32, #tpu.memory_space<hbm>>) dst(%arg9 : memref<64x128xf32, #tpu.memory_space<vmem>>)
      "tpu.region"() ({
        %run_scoped3A = tpu.sem_alloc : memref<!tpu.dma_semaphore, #tpu.memory_space<semaphore_mem>>
        %dma_start3A_79 = arith.constant 0 : i32
        %dma_start3A_80 = tpu.memref_slice %arg8[%add3A_50, %dma_start3A_79] : memref<80x128xi32, #tpu.memory_space<vmem>> -> memref<1x64xi32, #tpu.memory_space<vmem>>
        %dma_start3A_81 = tpu.memref_squeeze %dma_start3A_80 : memref<1x64xi32, #tpu.memory_space<vmem>> -> memref<64xi32, #tpu.memory_space<vmem>>
        %dma_start3A_82 = arith.constant 0 : i32
        %dma_start3A_83 = arith.constant 0 : i32
        %dma_start3A_84 = tpu.memref_slice %arg11[%dma_start3A_82, %dma_start3A_83] : memref<10112x128xf32, #tpu.memory_space<vmem_shared>> -> memref<10112x128xf32, #tpu.memory_space<vmem_shared>>
        tpu.enqueue_indirect_dma source(%arg9 : memref<64x128xf32, #tpu.memory_space<vmem>>) target(%dma_start3A_84 : memref<10112x128xf32, #tpu.memory_space<vmem_shared>>) offsets(%dma_start3A_81 : memref<64xi32, #tpu.memory_space<vmem>>) semaphore(%run_scoped3A : memref<!tpu.dma_semaphore, #tpu.memory_space<semaphore_mem>>) {add = true}
        %dma_wait3A_85 = arith.constant 0 : i32
        %dma_wait3A_86 = tpu.memref_slice %arg8[%add3A_50, %dma_wait3A_85] : memref<80x128xi32, #tpu.memory_space<vmem>> -> memref<1x64xi32, #tpu.memory_space<vmem>>
        %dma_wait3A_87 = tpu.memref_squeeze %dma_wait3A_86 : memref<1x64xi32, #tpu.memory_space<vmem>> -> memref<64xi32, #tpu.memory_space<vmem>>
        %dma_wait3A_88 = arith.constant 0 : i32
        %dma_wait3A_89 = arith.constant 0 : i32
        %dma_wait3A_90 = tpu.memref_slice %arg11[%dma_wait3A_88, %dma_wait3A_89] : memref<10112x128xf32, #tpu.memory_space<vmem_shared>> -> memref<10112x128xf32, #tpu.memory_space<vmem_shared>>
        tpu.wait_indirect_dma semaphore(%run_scoped3A : memref<!tpu.dma_semaphore, #tpu.memory_space<semaphore_mem>>) src(%arg9 : memref<64x128xf32, #tpu.memory_space<vmem>>) dst(%dma_wait3A_90 : memref<10112x128xf32, #tpu.memory_space<vmem_shared>>)
        tpu.yield
      }) : () -> ()
      %add3A_57 = arith.constant 1 : i32
      %add3A_58 = arith.addi %add3A_50, %add3A_57 : i32
      %dma_start3A_59 = arith.constant 0 : i32
      %dma_start3A_60 = tpu.memref_slice %arg7[%add3A_58, %dma_start3A_59] : memref<81x128xi32, #tpu.memory_space<vmem>> -> memref<1x64xi32, #tpu.memory_space<vmem>>
      %dma_start3A_61 = tpu.memref_squeeze %dma_start3A_60 : memref<1x64xi32, #tpu.memory_space<vmem>> -> memref<64xi32, #tpu.memory_space<vmem>>
      %dma_start3A_62 = arith.constant 0 : i32
      %dma_start3A_63 = arith.constant 0 : i32
      %dma_start3A_64 = tpu.memref_slice %arg2[%dma_start3A_62, %dma_start3A_63] : memref<10000x128xf32, #tpu.memory_space<hbm>> -> memref<10000x128xf32, #tpu.memory_space<hbm>>
      tpu.enqueue_indirect_dma source(%dma_start3A_64 : memref<10000x128xf32, #tpu.memory_space<hbm>>) target(%arg9 : memref<64x128xf32, #tpu.memory_space<vmem>>) offsets(%dma_start3A_61 : memref<64xi32, #tpu.memory_space<vmem>>) semaphore(%arg12 : memref<!tpu.dma_semaphore, #tpu.memory_space<semaphore_mem>>)
      %dma_wait3A_65 = arith.constant 64 : i32
      %dma_wait3A_66 = tpu.memref_slice %arg7[%add3A_50, %dma_wait3A_65] : memref<81x128xi32, #tpu.memory_space<vmem>> -> memref<1x64xi32, #tpu.memory_space<vmem>>
      %dma_wait3A_67 = tpu.memref_squeeze %dma_wait3A_66 : memref<1x64xi32, #tpu.memory_space<vmem>> -> memref<64xi32, #tpu.memory_space<vmem>>
      %dma_wait3A_68 = arith.constant 0 : i32
      %dma_wait3A_69 = arith.constant 0 : i32
      %dma_wait3A_70 = tpu.memref_slice %arg2[%dma_wait3A_68, %dma_wait3A_69] : memref<10000x128xf32, #tpu.memory_space<hbm>> -> memref<10000x128xf32, #tpu.memory_space<hbm>>
      tpu.wait_indirect_dma semaphore(%arg13 : memref<!tpu.dma_semaphore, #tpu.memory_space<semaphore_mem>>) src(%dma_wait3A_70 : memref<10000x128xf32, #tpu.memory_space<hbm>>) dst(%arg10 : memref<64x128xf32, #tpu.memory_space<vmem>>)
      "tpu.region"() ({
        %run_scoped3A = tpu.sem_alloc : memref<!tpu.dma_semaphore, #tpu.memory_space<semaphore_mem>>
        %dma_start3A_79 = arith.constant 64 : i32
        %dma_start3A_80 = tpu.memref_slice %arg8[%add3A_50, %dma_start3A_79] : memref<80x128xi32, #tpu.memory_space<vmem>> -> memref<1x64xi32, #tpu.memory_space<vmem>>
        %dma_start3A_81 = tpu.memref_squeeze %dma_start3A_80 : memref<1x64xi32, #tpu.memory_space<vmem>> -> memref<64xi32, #tpu.memory_space<vmem>>
        %dma_start3A_82 = arith.constant 0 : i32
        %dma_start3A_83 = arith.constant 0 : i32
        %dma_start3A_84 = tpu.memref_slice %arg11[%dma_start3A_82, %dma_start3A_83] : memref<10112x128xf32, #tpu.memory_space<vmem_shared>> -> memref<10112x128xf32, #tpu.memory_space<vmem_shared>>
        tpu.enqueue_indirect_dma source(%arg10 : memref<64x128xf32, #tpu.memory_space<vmem>>) target(%dma_start3A_84 : memref<10112x128xf32, #tpu.memory_space<vmem_shared>>) offsets(%dma_start3A_81 : memref<64xi32, #tpu.memory_space<vmem>>) semaphore(%run_scoped3A : memref<!tpu.dma_semaphore, #tpu.memory_space<semaphore_mem>>) {add = true}
        %dma_wait3A_85 = arith.constant 64 : i32
        %dma_wait3A_86 = tpu.memref_slice %arg8[%add3A_50, %dma_wait3A_85] : memref<80x128xi32, #tpu.memory_space<vmem>> -> memref<1x64xi32, #tpu.memory_space<vmem>>
        %dma_wait3A_87 = tpu.memref_squeeze %dma_wait3A_86 : memref<1x64xi32, #tpu.memory_space<vmem>> -> memref<64xi32, #tpu.memory_space<vmem>>
        %dma_wait3A_88 = arith.constant 0 : i32
        %dma_wait3A_89 = arith.constant 0 : i32
        %dma_wait3A_90 = tpu.memref_slice %arg11[%dma_wait3A_88, %dma_wait3A_89] : memref<10112x128xf32, #tpu.memory_space<vmem_shared>> -> memref<10112x128xf32, #tpu.memory_space<vmem_shared>>
        tpu.wait_indirect_dma semaphore(%run_scoped3A : memref<!tpu.dma_semaphore, #tpu.memory_space<semaphore_mem>>) src(%arg10 : memref<64x128xf32, #tpu.memory_space<vmem>>) dst(%dma_wait3A_90 : memref<10112x128xf32, #tpu.memory_space<vmem_shared>>)
        tpu.yield
      }) : () -> ()
      %add3A_71 = arith.constant 1 : i32
      %add3A_72 = arith.addi %add3A_50, %add3A_71 : i32
      %dma_start3A_73 = arith.constant 64 : i32
      %dma_start3A_74 = tpu.memref_slice %arg7[%add3A_72, %dma_start3A_73] : memref<81x128xi32, #tpu.memory_space<vmem>> -> memref<1x64xi32, #tpu.memory_space<vmem>>
      %dma_start3A_75 = tpu.memref_squeeze %dma_start3A_74 : memref<1x64xi32, #tpu.memory_space<vmem>> -> memref<64xi32, #tpu.memory_space<vmem>>
      %dma_start3A_76 = arith.constant 0 : i32
      %dma_start3A_77 = arith.constant 0 : i32
      %dma_start3A_78 = tpu.memref_slice %arg2[%dma_start3A_76, %dma_start3A_77] : memref<10000x128xf32, #tpu.memory_space<hbm>> -> memref<10000x128xf32, #tpu.memory_space<hbm>>
      tpu.enqueue_indirect_dma source(%dma_start3A_78 : memref<10000x128xf32, #tpu.memory_space<hbm>>) target(%arg10 : memref<64x128xf32, #tpu.memory_space<vmem>>) offsets(%dma_start3A_75 : memref<64xi32, #tpu.memory_space<vmem>>) semaphore(%arg13 : memref<!tpu.dma_semaphore, #tpu.memory_space<semaphore_mem>>)
    }
    %scan3A_27 = arith.constant 80 : i32
    %dma_wait3A = arith.constant 0 : i32
    %dma_wait3A_28 = arith.constant 0 : i32
    %dma_wait3A_29 = tpu.memref_slice %arg7[%dma_wait3A, %dma_wait3A_28] : memref<81x128xi32, #tpu.memory_space<vmem>> -> memref<1x64xi32, #tpu.memory_space<vmem>>
    %dma_wait3A_30 = tpu.memref_squeeze %dma_wait3A_29 : memref<1x64xi32, #tpu.memory_space<vmem>> -> memref<64xi32, #tpu.memory_space<vmem>>
    %dma_wait3A_31 = arith.constant 0 : i32
    %dma_wait3A_32 = arith.constant 0 : i32
    %dma_wait3A_33 = tpu.memref_slice %arg2[%dma_wait3A_31, %dma_wait3A_32] : memref<10000x128xf32, #tpu.memory_space<hbm>> -> memref<10000x128xf32, #tpu.memory_space<hbm>>
    tpu.wait_indirect_dma semaphore(%arg12 : memref<!tpu.dma_semaphore, #tpu.memory_space<semaphore_mem>>) src(%dma_wait3A_33 : memref<10000x128xf32, #tpu.memory_space<hbm>>) dst(%arg9 : memref<64x128xf32, #tpu.memory_space<vmem>>)
    %dma_wait3A_34 = arith.constant 0 : i32
    %dma_wait3A_35 = arith.constant 64 : i32
    %dma_wait3A_36 = tpu.memref_slice %arg7[%dma_wait3A_34, %dma_wait3A_35] : memref<81x128xi32, #tpu.memory_space<vmem>> -> memref<1x64xi32, #tpu.memory_space<vmem>>
    %dma_wait3A_37 = tpu.memref_squeeze %dma_wait3A_36 : memref<1x64xi32, #tpu.memory_space<vmem>> -> memref<64xi32, #tpu.memory_space<vmem>>
    %dma_wait3A_38 = arith.constant 0 : i32
    %dma_wait3A_39 = arith.constant 0 : i32
    %dma_wait3A_40 = tpu.memref_slice %arg2[%dma_wait3A_38, %dma_wait3A_39] : memref<10000x128xf32, #tpu.memory_space<hbm>> -> memref<10000x128xf32, #tpu.memory_space<hbm>>
    tpu.wait_indirect_dma semaphore(%arg13 : memref<!tpu.dma_semaphore, #tpu.memory_space<semaphore_mem>>) src(%dma_wait3A_40 : memref<10000x128xf32, #tpu.memory_space<hbm>>) dst(%arg10 : memref<64x128xf32, #tpu.memory_space<vmem>>)
    %barrier3A_41 = arith.constant 0 : index
    tpu.barrier barrier_id(%barrier3A_41)
    %mul3A_42 = arith.constant 632 : i32
    %mul3A_43 = arith.muli %arg1, %mul3A_42 : i32
    %mul3A_44 = arith.constant 632 : i32
    %mul3A_45 = arith.muli %arg1, %mul3A_44 : i32
    "tpu.region"() ({
      %run_scoped3A = tpu.sem_alloc : memref<!tpu.dma_semaphore, #tpu.memory_space<semaphore_mem>>
      %dma_start3A_46 = arith.constant 0 : i32
      %dma_start3A_47 = arith.constant 0 : i32
      %dma_start3A_48 = tpu.memref_slice %arg6[%arg0, %dma_start3A_46, %dma_start3A_47] : memref<2x10112x128xf32, #tpu.memory_space<hbm>> -> memref<1x10112x128xf32, #tpu.memory_space<hbm>>
      %dma_start3A_49 = tpu.memref_squeeze %dma_start3A_48 : memref<1x10112x128xf32, #tpu.memory_space<hbm>> -> memref<10112x128xf32, #tpu.memory_space<hbm>>
      %dma_start3A_50 = arith.constant 0 : i32
      %dma_start3A_51 = tpu.memref_slice %dma_start3A_49[%mul3A_45, %dma_start3A_50] : memref<10112x128xf32, #tpu.memory_space<hbm>> -> memref<632x128xf32, #tpu.memory_space<hbm>>
      %dma_start3A_52 = arith.constant 0 : i32
      %dma_start3A_53 = tpu.memref_slice %arg11[%mul3A_43, %dma_start3A_52] : memref<10112x128xf32, #tpu.memory_space<vmem_shared>> -> memref<632x128xf32, #tpu.memory_space<vmem_shared>>
      tpu.enqueue_dma source(%dma_start3A_53 : memref<632x128xf32, #tpu.memory_space<vmem_shared>>) target(%dma_start3A_51 : memref<632x128xf32, #tpu.memory_space<hbm>>) target_semaphore(%run_scoped3A : memref<!tpu.dma_semaphore, #tpu.memory_space<semaphore_mem>>)
      %dma_wait3A_54 = arith.constant 0 : i32
      %dma_wait3A_55 = arith.constant 0 : i32
      %dma_wait3A_56 = tpu.memref_slice %arg6[%arg0, %dma_wait3A_54, %dma_wait3A_55] : memref<2x10112x128xf32, #tpu.memory_space<hbm>> -> memref<1x10112x128xf32, #tpu.memory_space<hbm>>
      %dma_wait3A_57 = tpu.memref_squeeze %dma_wait3A_56 : memref<1x10112x128xf32, #tpu.memory_space<hbm>> -> memref<10112x128xf32, #tpu.memory_space<hbm>>
      %dma_wait3A_58 = arith.constant 0 : i32
      %dma_wait3A_59 = tpu.memref_slice %dma_wait3A_57[%mul3A_45, %dma_wait3A_58] : memref<10112x128xf32, #tpu.memory_space<hbm>> -> memref<632x128xf32, #tpu.memory_space<hbm>>
      %dma_wait3A_60 = arith.constant 0 : i32
      %dma_wait3A_61 = tpu.memref_slice %arg11[%mul3A_43, %dma_wait3A_60] : memref<10112x128xf32, #tpu.memory_space<vmem_shared>> -> memref<632x128xf32, #tpu.memory_space<vmem_shared>>
      tpu.wait_dma2 semaphore(%run_scoped3A : memref<!tpu.dma_semaphore, #tpu.memory_space<semaphore_mem>>) src(%dma_wait3A_61 : memref<632x128xf32, #tpu.memory_space<vmem_shared>>) dst(%dma_wait3A_59 : memref<632x128xf32, #tpu.memory_space<hbm>>)
      tpu.yield
    }) : () -> ()
    return
  }
}

#map = affine_map<(d0, d1) -> (0, 0)>
#map1 = affine_map<(d0, d1) -> (0, 0, 0)>
module attributes {stable_mosaic.version = 14 : i64} {
  func.func @k(%arg0: i32, %arg1: i32, %arg2: memref<10000x128xf32, #tpu.memory_space<hbm>>, %arg3: memref<2560x128xi32, #tpu.memory_space<hbm>>, %arg4: memref<2560x128xi32, #tpu.memory_space<hbm>>, %arg5: memref<10112x128xf32, #tpu.memory_space<hbm>>, %arg6: memref<2x10112x128xf32, #tpu.memory_space<hbm>>, %arg7: memref<81x128xi32, #tpu.memory_space<vmem>>, %arg8: memref<80x128xi32, #tpu.memory_space<vmem>>, %arg9: memref<64x128xf32, #tpu.memory_space<vmem>>, %arg10: memref<64x128xf32, #tpu.memory_space<vmem>>, %arg11: memref<10112x128xf32, #tpu.memory_space<vmem_shared>>, %arg12: memref<!tpu.dma_semaphore, #tpu.memory_space<semaphore_mem>>, %arg13: memref<!tpu.dma_semaphore, #tpu.memory_space<semaphore_mem>>) attributes {dimension_semantics = [#tpu.dimension_semantics<core_parallel>, #tpu.dimension_semantics<subcore_parallel>], iteration_bounds = array<i64: 2, 16>, scalar_prefetch = 0 : i64, scratch_operands = 7 : i64, tpu.core_type = #tpu.core_type<sc_vector_subcore>, window_params = [{transform_indices = #map}, {transform_indices = #map}, {transform_indices = #map}, {transform_indices = #map}, {transform_indices = #map1}]} {
    %mul3A = arith.constant 2 : i32
    %mul3A_0 = arith.muli %arg1, %mul3A : i32
    %add3A = arith.addi %mul3A_0, %arg0 : i32
    %mul3A_1 = arith.constant 80 : i32
    %mul3A_2 = arith.muli %add3A, %mul3A_1 : i32
    "tpu.region"() ({
      %run_scoped3A = tpu.sem_alloc : memref<!tpu.dma_semaphore, #tpu.memory_space<semaphore_mem>>
      %dma_start3A_46 = arith.constant 0 : i32
      %dma_start3A_47 = arith.constant 0 : i32
      %dma_start3A_48 = tpu.memref_slice %arg7[%dma_start3A_46, %dma_start3A_47] : memref<81x128xi32, #tpu.memory_space<vmem>> -> memref<80x128xi32, #tpu.memory_space<vmem>>
      %dma_start3A_49 = arith.constant 0 : i32
      %dma_start3A_50 = tpu.memref_slice %arg3[%mul3A_2, %dma_start3A_49] : memref<2560x128xi32, #tpu.memory_space<hbm>> -> memref<80x128xi32, #tpu.memory_space<hbm>>
      %dma_start3A_51 = arith.constant 0 : i32
      %dma_start3A_52 = arith.constant 0 : i32
      %dma_start3A_53 = tpu.memref_slice %arg7[%dma_start3A_51, %dma_start3A_52] : memref<81x128xi32, #tpu.memory_space<vmem>> -> memref<80x128xi32, #tpu.memory_space<vmem>>
      %dma_start3A_54 = arith.constant 0 : i32
      %dma_start3A_55 = tpu.memref_slice %arg3[%mul3A_2, %dma_start3A_54] : memref<2560x128xi32, #tpu.memory_space<hbm>> -> memref<80x128xi32, #tpu.memory_space<hbm>>
      tpu.enqueue_dma source(%dma_start3A_55 : memref<80x128xi32, #tpu.memory_space<hbm>>) target(%dma_start3A_53 : memref<80x128xi32, #tpu.memory_space<vmem>>) target_semaphore(%run_scoped3A : memref<!tpu.dma_semaphore, #tpu.memory_space<semaphore_mem>>)
      %dma_wait3A_56 = arith.constant 0 : i32
      %dma_wait3A_57 = arith.constant 0 : i32
      %dma_wait3A_58 = tpu.memref_slice %arg7[%dma_wait3A_56, %dma_wait3A_57] : memref<81x128xi32, #tpu.memory_space<vmem>> -> memref<80x128xi32, #tpu.memory_space<vmem>>
      %dma_wait3A_59 = arith.constant 0 : i32
      %dma_wait3A_60 = tpu.memref_slice %arg3[%mul3A_2, %dma_wait3A_59] : memref<2560x128xi32, #tpu.memory_space<hbm>> -> memref<80x128xi32, #tpu.memory_space<hbm>>
      %dma_wait3A_61 = arith.constant 0 : i32
      %dma_wait3A_62 = arith.constant 0 : i32
      %dma_wait3A_63 = tpu.memref_slice %arg7[%dma_wait3A_61, %dma_wait3A_62] : memref<81x128xi32, #tpu.memory_space<vmem>> -> memref<80x128xi32, #tpu.memory_space<vmem>>
      %dma_wait3A_64 = arith.constant 0 : i32
      %dma_wait3A_65 = tpu.memref_slice %arg3[%mul3A_2, %dma_wait3A_64] : memref<2560x128xi32, #tpu.memory_space<hbm>> -> memref<80x128xi32, #tpu.memory_space<hbm>>
      tpu.wait_dma2 semaphore(%run_scoped3A : memref<!tpu.dma_semaphore, #tpu.memory_space<semaphore_mem>>) src(%dma_wait3A_65 : memref<80x128xi32, #tpu.memory_space<hbm>>) dst(%dma_wait3A_63 : memref<80x128xi32, #tpu.memory_space<vmem>>)
      tpu.yield
    }) : () -> ()
    %mul3A_3 = arith.constant 80 : i32
    %mul3A_4 = arith.muli %add3A, %mul3A_3 : i32
    "tpu.region"() ({
      %run_scoped3A = tpu.sem_alloc : memref<!tpu.dma_semaphore, #tpu.memory_space<semaphore_mem>>
      %dma_start3A_46 = arith.constant 80 : i32
      %dma_start3A_47 = arith.constant 0 : i32
      %dma_start3A_48 = tpu.memref_slice %arg7[%dma_start3A_46, %dma_start3A_47] : memref<81x128xi32, #tpu.memory_space<vmem>> -> memref<1x128xi32, #tpu.memory_space<vmem>>
      %dma_start3A_49 = arith.constant 0 : i32
      %dma_start3A_50 = tpu.memref_slice %arg3[%mul3A_4, %dma_start3A_49] : memref<2560x128xi32, #tpu.memory_space<hbm>> -> memref<1x128xi32, #tpu.memory_space<hbm>>
      %dma_start3A_51 = arith.constant 80 : i32
      %dma_start3A_52 = arith.constant 0 : i32
      %dma_start3A_53 = tpu.memref_slice %arg7[%dma_start3A_51, %dma_start3A_52] : memref<81x128xi32, #tpu.memory_space<vmem>> -> memref<1x128xi32, #tpu.memory_space<vmem>>
      %dma_start3A_54 = arith.constant 0 : i32
      %dma_start3A_55 = tpu.memref_slice %arg3[%mul3A_4, %dma_start3A_54] : memref<2560x128xi32, #tpu.memory_space<hbm>> -> memref<1x128xi32, #tpu.memory_space<hbm>>
      tpu.enqueue_dma source(%dma_start3A_55 : memref<1x128xi32, #tpu.memory_space<hbm>>) target(%dma_start3A_53 : memref<1x128xi32, #tpu.memory_space<vmem>>) target_semaphore(%run_scoped3A : memref<!tpu.dma_semaphore, #tpu.memory_space<semaphore_mem>>)
      %dma_wait3A_56 = arith.constant 80 : i32
      %dma_wait3A_57 = arith.constant 0 : i32
      %dma_wait3A_58 = tpu.memref_slice %arg7[%dma_wait3A_56, %dma_wait3A_57] : memref<81x128xi32, #tpu.memory_space<vmem>> -> memref<1x128xi32, #tpu.memory_space<vmem>>
      %dma_wait3A_59 = arith.constant 0 : i32
      %dma_wait3A_60 = tpu.memref_slice %arg3[%mul3A_4, %dma_wait3A_59] : memref<2560x128xi32, #tpu.memory_space<hbm>> -> memref<1x128xi32, #tpu.memory_space<hbm>>
      %dma_wait3A_61 = arith.constant 80 : i32
      %dma_wait3A_62 = arith.constant 0 : i32
      %dma_wait3A_63 = tpu.memref_slice %arg7[%dma_wait3A_61, %dma_wait3A_62] : memref<81x128xi32, #tpu.memory_space<vmem>> -> memref<1x128xi32, #tpu.memory_space<vmem>>
      %dma_wait3A_64 = arith.constant 0 : i32
      %dma_wait3A_65 = tpu.memref_slice %arg3[%mul3A_4, %dma_wait3A_64] : memref<2560x128xi32, #tpu.memory_space<hbm>> -> memref<1x128xi32, #tpu.memory_space<hbm>>
      tpu.wait_dma2 semaphore(%run_scoped3A : memref<!tpu.dma_semaphore, #tpu.memory_space<semaphore_mem>>) src(%dma_wait3A_65 : memref<1x128xi32, #tpu.memory_space<hbm>>) dst(%dma_wait3A_63 : memref<1x128xi32, #tpu.memory_space<vmem>>)
      tpu.yield
    }) : () -> ()
    %mul3A_5 = arith.constant 80 : i32
    %mul3A_6 = arith.muli %add3A, %mul3A_5 : i32
    "tpu.region"() ({
      %run_scoped3A = tpu.sem_alloc : memref<!tpu.dma_semaphore, #tpu.memory_space<semaphore_mem>>
      %dma_start3A_46 = arith.constant 0 : i32
      %dma_start3A_47 = tpu.memref_slice %arg4[%mul3A_6, %dma_start3A_46] : memref<2560x128xi32, #tpu.memory_space<hbm>> -> memref<80x128xi32, #tpu.memory_space<hbm>>
      %dma_start3A_48 = arith.constant 0 : i32
      %dma_start3A_49 = tpu.memref_slice %arg4[%mul3A_6, %dma_start3A_48] : memref<2560x128xi32, #tpu.memory_space<hbm>> -> memref<80x128xi32, #tpu.memory_space<hbm>>
      tpu.enqueue_dma source(%dma_start3A_49 : memref<80x128xi32, #tpu.memory_space<hbm>>) target(%arg8 : memref<80x128xi32, #tpu.memory_space<vmem>>) target_semaphore(%run_scoped3A : memref<!tpu.dma_semaphore, #tpu.memory_space<semaphore_mem>>)
      %dma_wait3A_50 = arith.constant 0 : i32
      %dma_wait3A_51 = tpu.memref_slice %arg4[%mul3A_6, %dma_wait3A_50] : memref<2560x128xi32, #tpu.memory_space<hbm>> -> memref<80x128xi32, #tpu.memory_space<hbm>>
      %dma_wait3A_52 = arith.constant 0 : i32
      %dma_wait3A_53 = tpu.memref_slice %arg4[%mul3A_6, %dma_wait3A_52] : memref<2560x128xi32, #tpu.memory_space<hbm>> -> memref<80x128xi32, #tpu.memory_space<hbm>>
      tpu.wait_dma2 semaphore(%run_scoped3A : memref<!tpu.dma_semaphore, #tpu.memory_space<semaphore_mem>>) src(%dma_wait3A_53 : memref<80x128xi32, #tpu.memory_space<hbm>>) dst(%arg8 : memref<80x128xi32, #tpu.memory_space<vmem>>)
      tpu.yield
    }) : () -> ()
    %mul3A_7 = arith.constant 632 : i32
    %mul3A_8 = arith.muli %arg1, %mul3A_7 : i32
    %mul3A_9 = arith.constant 632 : i32
    %mul3A_10 = arith.muli %arg1, %mul3A_9 : i32
    "tpu.region"() ({
      %run_scoped3A = tpu.sem_alloc : memref<!tpu.dma_semaphore, #tpu.memory_space<semaphore_mem>>
      %dma_start3A_46 = arith.constant 0 : i32
      %dma_start3A_47 = tpu.memref_slice %arg11[%mul3A_10, %dma_start3A_46] : memref<10112x128xf32, #tpu.memory_space<vmem_shared>> -> memref<632x128xf32, #tpu.memory_space<vmem_shared>>
      %dma_start3A_48 = arith.constant 0 : i32
      %dma_start3A_49 = tpu.memref_slice %arg5[%mul3A_8, %dma_start3A_48] : memref<10112x128xf32, #tpu.memory_space<hbm>> -> memref<632x128xf32, #tpu.memory_space<hbm>>
      tpu.enqueue_dma source(%dma_start3A_49 : memref<632x128xf32, #tpu.memory_space<hbm>>) target(%dma_start3A_47 : memref<632x128xf32, #tpu.memory_space<vmem_shared>>) target_semaphore(%run_scoped3A : memref<!tpu.dma_semaphore, #tpu.memory_space<semaphore_mem>>)
      %dma_wait3A_50 = arith.constant 0 : i32
      %dma_wait3A_51 = tpu.memref_slice %arg11[%mul3A_10, %dma_wait3A_50] : memref<10112x128xf32, #tpu.memory_space<vmem_shared>> -> memref<632x128xf32, #tpu.memory_space<vmem_shared>>
      %dma_wait3A_52 = arith.constant 0 : i32
      %dma_wait3A_53 = tpu.memref_slice %arg5[%mul3A_8, %dma_wait3A_52] : memref<10112x128xf32, #tpu.memory_space<hbm>> -> memref<632x128xf32, #tpu.memory_space<hbm>>
      tpu.wait_dma2 semaphore(%run_scoped3A : memref<!tpu.dma_semaphore, #tpu.memory_space<semaphore_mem>>) src(%dma_wait3A_53 : memref<632x128xf32, #tpu.memory_space<hbm>>) dst(%dma_wait3A_51 : memref<632x128xf32, #tpu.memory_space<vmem_shared>>)
      tpu.yield
    }) : () -> ()
    %barrier3A = arith.constant 0 : index
    tpu.barrier barrier_id(%barrier3A)
    %dma_start3A = arith.constant 0 : i32
    %dma_start3A_11 = arith.constant 0 : i32
    %dma_start3A_12 = tpu.memref_slice %arg7[%dma_start3A, %dma_start3A_11] : memref<81x128xi32, #tpu.memory_space<vmem>> -> memref<1x64xi32, #tpu.memory_space<vmem>>
    %dma_start3A_13 = tpu.memref_squeeze %dma_start3A_12 : memref<1x64xi32, #tpu.memory_space<vmem>> -> memref<64xi32, #tpu.memory_space<vmem>>
    %dma_start3A_14 = arith.constant 0 : i32
    %dma_start3A_15 = arith.constant 0 : i32
    %dma_start3A_16 = tpu.memref_slice %arg2[%dma_start3A_14, %dma_start3A_15] : memref<10000x128xf32, #tpu.memory_space<hbm>> -> memref<10000x128xf32, #tpu.memory_space<hbm>>
    tpu.enqueue_indirect_dma source(%dma_start3A_16 : memref<10000x128xf32, #tpu.memory_space<hbm>>) target(%arg9 : memref<64x128xf32, #tpu.memory_space<vmem>>) offsets(%dma_start3A_13 : memref<64xi32, #tpu.memory_space<vmem>>) semaphore(%arg12 : memref<!tpu.dma_semaphore, #tpu.memory_space<semaphore_mem>>)
    %dma_start3A_17 = arith.constant 0 : i32
    %dma_start3A_18 = arith.constant 64 : i32
    %dma_start3A_19 = tpu.memref_slice %arg7[%dma_start3A_17, %dma_start3A_18] : memref<81x128xi32, #tpu.memory_space<vmem>> -> memref<1x64xi32, #tpu.memory_space<vmem>>
    %dma_start3A_20 = tpu.memref_squeeze %dma_start3A_19 : memref<1x64xi32, #tpu.memory_space<vmem>> -> memref<64xi32, #tpu.memory_space<vmem>>
    %dma_start3A_21 = arith.constant 0 : i32
    %dma_start3A_22 = arith.constant 0 : i32
    %dma_start3A_23 = tpu.memref_slice %arg2[%dma_start3A_21, %dma_start3A_22] : memref<10000x128xf32, #tpu.memory_space<hbm>> -> memref<10000x128xf32, #tpu.memory_space<hbm>>
    tpu.enqueue_indirect_dma source(%dma_start3A_23 : memref<10000x128xf32, #tpu.memory_space<hbm>>) target(%arg10 : memref<64x128xf32, #tpu.memory_space<vmem>>) offsets(%dma_start3A_20 : memref<64xi32, #tpu.memory_space<vmem>>) semaphore(%arg13 : memref<!tpu.dma_semaphore, #tpu.memory_space<semaphore_mem>>)
    %scan3A = arith.constant 0 : i32
    %scan3A_24 = arith.constant 80 : i32
    %scan3A_25 = arith.addi %scan3A, %scan3A_24 : i32
    %scan3A_26 = arith.constant 1 : i32
    scf.for %scan3A_46 = %scan3A to %scan3A_25 step %scan3A_26  : i32 {
      %mul3A_47 = arith.constant 1 : i32
      %mul3A_48 = arith.muli %scan3A_46, %mul3A_47 : i32
      %add3A_49 = arith.constant 0 : i32
      %add3A_50 = arith.addi %add3A_49, %mul3A_48 : i32
      %dma_wait3A_51 = arith.constant 0 : i32
      %dma_wait3A_52 = tpu.memref_slice %arg7[%add3A_50, %dma_wait3A_51] : memref<81x128xi32, #tpu.memory_space<vmem>> -> memref<1x64xi32, #tpu.memory_space<vmem>>
      %dma_wait3A_53 = tpu.memref_squeeze %dma_wait3A_52 : memref<1x64xi32, #tpu.memory_space<vmem>> -> memref<64xi32, #tpu.memory_space<vmem>>
      %dma_wait3A_54 = arith.constant 0 : i32
      %dma_wait3A_55 = arith.constant 0 : i32
      %dma_wait3A_56 = tpu.memref_slice %arg2[%dma_wait3A_54, %dma_wait3A_55] : memref<10000x128xf32, #tpu.memory_space<hbm>> -> memref<10000x128xf32, #tpu.memory_space<hbm>>
      tpu.wait_indirect_dma semaphore(%arg12 : memref<!tpu.dma_semaphore, #tpu.memory_space<semaphore_mem>>) src(%dma_wait3A_56 : memref<10000x128xf32, #tpu.memory_space<hbm>>) dst(%arg9 : memref<64x128xf32, #tpu.memory_space<vmem>>)
      "tpu.region"() ({
        %run_scoped3A = tpu.sem_alloc : memref<!tpu.dma_semaphore, #tpu.memory_space<semaphore_mem>>
        %dma_start3A_79 = arith.constant 0 : i32
        %dma_start3A_80 = tpu.memref_slice %arg8[%add3A_50, %dma_start3A_79] : memref<80x128xi32, #tpu.memory_space<vmem>> -> memref<1x64xi32, #tpu.memory_space<vmem>>
        %dma_start3A_81 = tpu.memref_squeeze %dma_start3A_80 : memref<1x64xi32, #tpu.memory_space<vmem>> -> memref<64xi32, #tpu.memory_space<vmem>>
        %dma_start3A_82 = arith.constant 0 : i32
        %dma_start3A_83 = arith.constant 0 : i32
        %dma_start3A_84 = tpu.memref_slice %arg11[%dma_start3A_82, %dma_start3A_83] : memref<10112x128xf32, #tpu.memory_space<vmem_shared>> -> memref<10112x128xf32, #tpu.memory_space<vmem_shared>>
        tpu.enqueue_indirect_dma source(%arg9 : memref<64x128xf32, #tpu.memory_space<vmem>>) target(%dma_start3A_84 : memref<10112x128xf32, #tpu.memory_space<vmem_shared>>) offsets(%dma_start3A_81 : memref<64xi32, #tpu.memory_space<vmem>>) semaphore(%run_scoped3A : memref<!tpu.dma_semaphore, #tpu.memory_space<semaphore_mem>>) {add = true}
        %dma_wait3A_85 = arith.constant 0 : i32
        %dma_wait3A_86 = tpu.memref_slice %arg8[%add3A_50, %dma_wait3A_85] : memref<80x128xi32, #tpu.memory_space<vmem>> -> memref<1x64xi32, #tpu.memory_space<vmem>>
        %dma_wait3A_87 = tpu.memref_squeeze %dma_wait3A_86 : memref<1x64xi32, #tpu.memory_space<vmem>> -> memref<64xi32, #tpu.memory_space<vmem>>
        %dma_wait3A_88 = arith.constant 0 : i32
        %dma_wait3A_89 = arith.constant 0 : i32
        %dma_wait3A_90 = tpu.memref_slice %arg11[%dma_wait3A_88, %dma_wait3A_89] : memref<10112x128xf32, #tpu.memory_space<vmem_shared>> -> memref<10112x128xf32, #tpu.memory_space<vmem_shared>>
        tpu.wait_indirect_dma semaphore(%run_scoped3A : memref<!tpu.dma_semaphore, #tpu.memory_space<semaphore_mem>>) src(%arg9 : memref<64x128xf32, #tpu.memory_space<vmem>>) dst(%dma_wait3A_90 : memref<10112x128xf32, #tpu.memory_space<vmem_shared>>)
        tpu.yield
      }) : () -> ()
      %add3A_57 = arith.constant 1 : i32
      %add3A_58 = arith.addi %add3A_50, %add3A_57 : i32
      %dma_start3A_59 = arith.constant 0 : i32
      %dma_start3A_60 = tpu.memref_slice %arg7[%add3A_58, %dma_start3A_59] : memref<81x128xi32, #tpu.memory_space<vmem>> -> memref<1x64xi32, #tpu.memory_space<vmem>>
      %dma_start3A_61 = tpu.memref_squeeze %dma_start3A_60 : memref<1x64xi32, #tpu.memory_space<vmem>> -> memref<64xi32, #tpu.memory_space<vmem>>
      %dma_start3A_62 = arith.constant 0 : i32
      %dma_start3A_63 = arith.constant 0 : i32
      %dma_start3A_64 = tpu.memref_slice %arg2[%dma_start3A_62, %dma_start3A_63] : memref<10000x128xf32, #tpu.memory_space<hbm>> -> memref<10000x128xf32, #tpu.memory_space<hbm>>
      tpu.enqueue_indirect_dma source(%dma_start3A_64 : memref<10000x128xf32, #tpu.memory_space<hbm>>) target(%arg9 : memref<64x128xf32, #tpu.memory_space<vmem>>) offsets(%dma_start3A_61 : memref<64xi32, #tpu.memory_space<vmem>>) semaphore(%arg12 : memref<!tpu.dma_semaphore, #tpu.memory_space<semaphore_mem>>)
      %dma_wait3A_65 = arith.constant 64 : i32
      %dma_wait3A_66 = tpu.memref_slice %arg7[%add3A_50, %dma_wait3A_65] : memref<81x128xi32, #tpu.memory_space<vmem>> -> memref<1x64xi32, #tpu.memory_space<vmem>>
      %dma_wait3A_67 = tpu.memref_squeeze %dma_wait3A_66 : memref<1x64xi32, #tpu.memory_space<vmem>> -> memref<64xi32, #tpu.memory_space<vmem>>
      %dma_wait3A_68 = arith.constant 0 : i32
      %dma_wait3A_69 = arith.constant 0 : i32
      %dma_wait3A_70 = tpu.memref_slice %arg2[%dma_wait3A_68, %dma_wait3A_69] : memref<10000x128xf32, #tpu.memory_space<hbm>> -> memref<10000x128xf32, #tpu.memory_space<hbm>>
      tpu.wait_indirect_dma semaphore(%arg13 : memref<!tpu.dma_semaphore, #tpu.memory_space<semaphore_mem>>) src(%dma_wait3A_70 : memref<10000x128xf32, #tpu.memory_space<hbm>>) dst(%arg10 : memref<64x128xf32, #tpu.memory_space<vmem>>)
      "tpu.region"() ({
        %run_scoped3A = tpu.sem_alloc : memref<!tpu.dma_semaphore, #tpu.memory_space<semaphore_mem>>
        %dma_start3A_79 = arith.constant 64 : i32
        %dma_start3A_80 = tpu.memref_slice %arg8[%add3A_50, %dma_start3A_79] : memref<80x128xi32, #tpu.memory_space<vmem>> -> memref<1x64xi32, #tpu.memory_space<vmem>>
        %dma_start3A_81 = tpu.memref_squeeze %dma_start3A_80 : memref<1x64xi32, #tpu.memory_space<vmem>> -> memref<64xi32, #tpu.memory_space<vmem>>
        %dma_start3A_82 = arith.constant 0 : i32
        %dma_start3A_83 = arith.constant 0 : i32
        %dma_start3A_84 = tpu.memref_slice %arg11[%dma_start3A_82, %dma_start3A_83] : memref<10112x128xf32, #tpu.memory_space<vmem_shared>> -> memref<10112x128xf32, #tpu.memory_space<vmem_shared>>
        tpu.enqueue_indirect_dma source(%arg10 : memref<64x128xf32, #tpu.memory_space<vmem>>) target(%dma_start3A_84 : memref<10112x128xf32, #tpu.memory_space<vmem_shared>>) offsets(%dma_start3A_81 : memref<64xi32, #tpu.memory_space<vmem>>) semaphore(%run_scoped3A : memref<!tpu.dma_semaphore, #tpu.memory_space<semaphore_mem>>) {add = true}
        %dma_wait3A_85 = arith.constant 64 : i32
        %dma_wait3A_86 = tpu.memref_slice %arg8[%add3A_50, %dma_wait3A_85] : memref<80x128xi32, #tpu.memory_space<vmem>> -> memref<1x64xi32, #tpu.memory_space<vmem>>
        %dma_wait3A_87 = tpu.memref_squeeze %dma_wait3A_86 : memref<1x64xi32, #tpu.memory_space<vmem>> -> memref<64xi32, #tpu.memory_space<vmem>>
        %dma_wait3A_88 = arith.constant 0 : i32
        %dma_wait3A_89 = arith.constant 0 : i32
        %dma_wait3A_90 = tpu.memref_slice %arg11[%dma_wait3A_88, %dma_wait3A_89] : memref<10112x128xf32, #tpu.memory_space<vmem_shared>> -> memref<10112x128xf32, #tpu.memory_space<vmem_shared>>
        tpu.wait_indirect_dma semaphore(%run_scoped3A : memref<!tpu.dma_semaphore, #tpu.memory_space<semaphore_mem>>) src(%arg10 : memref<64x128xf32, #tpu.memory_space<vmem>>) dst(%dma_wait3A_90 : memref<10112x128xf32, #tpu.memory_space<vmem_shared>>)
        tpu.yield
      }) : () -> ()
      %add3A_71 = arith.constant 1 : i32
      %add3A_72 = arith.addi %add3A_50, %add3A_71 : i32
      %dma_start3A_73 = arith.constant 64 : i32
      %dma_start3A_74 = tpu.memref_slice %arg7[%add3A_72, %dma_start3A_73] : memref<81x128xi32, #tpu.memory_space<vmem>> -> memref<1x64xi32, #tpu.memory_space<vmem>>
      %dma_start3A_75 = tpu.memref_squeeze %dma_start3A_74 : memref<1x64xi32, #tpu.memory_space<vmem>> -> memref<64xi32, #tpu.memory_space<vmem>>
      %dma_start3A_76 = arith.constant 0 : i32
      %dma_start3A_77 = arith.constant 0 : i32
      %dma_start3A_78 = tpu.memref_slice %arg2[%dma_start3A_76, %dma_start3A_77] : memref<10000x128xf32, #tpu.memory_space<hbm>> -> memref<10000x128xf32, #tpu.memory_space<hbm>>
      tpu.enqueue_indirect_dma source(%dma_start3A_78 : memref<10000x128xf32, #tpu.memory_space<hbm>>) target(%arg10 : memref<64x128xf32, #tpu.memory_space<vmem>>) offsets(%dma_start3A_75 : memref<64xi32, #tpu.memory_space<vmem>>) semaphore(%arg13 : memref<!tpu.dma_semaphore, #tpu.memory_space<semaphore_mem>>)
    }
    %scan3A_27 = arith.constant 80 : i32
    %dma_wait3A = arith.constant 0 : i32
    %dma_wait3A_28 = arith.constant 0 : i32
    %dma_wait3A_29 = tpu.memref_slice %arg7[%dma_wait3A, %dma_wait3A_28] : memref<81x128xi32, #tpu.memory_space<vmem>> -> memref<1x64xi32, #tpu.memory_space<vmem>>
    %dma_wait3A_30 = tpu.memref_squeeze %dma_wait3A_29 : memref<1x64xi32, #tpu.memory_space<vmem>> -> memref<64xi32, #tpu.memory_space<vmem>>
    %dma_wait3A_31 = arith.constant 0 : i32
    %dma_wait3A_32 = arith.constant 0 : i32
    %dma_wait3A_33 = tpu.memref_slice %arg2[%dma_wait3A_31, %dma_wait3A_32] : memref<10000x128xf32, #tpu.memory_space<hbm>> -> memref<10000x128xf32, #tpu.memory_space<hbm>>
    tpu.wait_indirect_dma semaphore(%arg12 : memref<!tpu.dma_semaphore, #tpu.memory_space<semaphore_mem>>) src(%dma_wait3A_33 : memref<10000x128xf32, #tpu.memory_space<hbm>>) dst(%arg9 : memref<64x128xf32, #tpu.memory_space<vmem>>)
    %dma_wait3A_34 = arith.constant 0 : i32
    %dma_wait3A_35 = arith.constant 64 : i32
    %dma_wait3A_36 = tpu.memref_slice %arg7[%dma_wait3A_34, %dma_wait3A_35] : memref<81x128xi32, #tpu.memory_space<vmem>> -> memref<1x64xi32, #tpu.memory_space<vmem>>
    %dma_wait3A_37 = tpu.memref_squeeze %dma_wait3A_36 : memref<1x64xi32, #tpu.memory_space<vmem>> -> memref<64xi32, #tpu.memory_space<vmem>>
    %dma_wait3A_38 = arith.constant 0 : i32
    %dma_wait3A_39 = arith.constant 0 : i32
    %dma_wait3A_40 = tpu.memref_slice %arg2[%dma_wait3A_38, %dma_wait3A_39] : memref<10000x128xf32, #tpu.memory_space<hbm>> -> memref<10000x128xf32, #tpu.memory_space<hbm>>
    tpu.wait_indirect_dma semaphore(%arg13 : memref<!tpu.dma_semaphore, #tpu.memory_space<semaphore_mem>>) src(%dma_wait3A_40 : memref<10000x128xf32, #tpu.memory_space<hbm>>) dst(%arg10 : memref<64x128xf32, #tpu.memory_space<vmem>>)
    %barrier3A_41 = arith.constant 0 : index
    tpu.barrier barrier_id(%barrier3A_41)
    %mul3A_42 = arith.constant 632 : i32
    %mul3A_43 = arith.muli %arg1, %mul3A_42 : i32
    %mul3A_44 = arith.constant 632 : i32
    %mul3A_45 = arith.muli %arg1, %mul3A_44 : i32
    "tpu.region"() ({
      %run_scoped3A = tpu.sem_alloc : memref<!tpu.dma_semaphore, #tpu.memory_space<semaphore_mem>>
      %dma_start3A_46 = arith.constant 0 : i32
      %dma_start3A_47 = arith.constant 0 : i32
      %dma_start3A_48 = tpu.memref_slice %arg6[%arg0, %dma_start3A_46, %dma_start3A_47] : memref<2x10112x128xf32, #tpu.memory_space<hbm>> -> memref<1x10112x128xf32, #tpu.memory_space<hbm>>
      %dma_start3A_49 = tpu.memref_squeeze %dma_start3A_48 : memref<1x10112x128xf32, #tpu.memory_space<hbm>> -> memref<10112x128xf32, #tpu.memory_space<hbm>>
      %dma_start3A_50 = arith.constant 0 : i32
      %dma_start3A_51 = tpu.memref_slice %dma_start3A_49[%mul3A_45, %dma_start3A_50] : memref<10112x128xf32, #tpu.memory_space<hbm>> -> memref<632x128xf32, #tpu.memory_space<hbm>>
      %dma_start3A_52 = arith.constant 0 : i32
      %dma_start3A_53 = tpu.memref_slice %arg11[%mul3A_43, %dma_start3A_52] : memref<10112x128xf32, #tpu.memory_space<vmem_shared>> -> memref<632x128xf32, #tpu.memory_space<vmem_shared>>
      tpu.enqueue_dma source(%dma_start3A_53 : memref<632x128xf32, #tpu.memory_space<vmem_shared>>) target(%dma_start3A_51 : memref<632x128xf32, #tpu.memory_space<hbm>>) target_semaphore(%run_scoped3A : memref<!tpu.dma_semaphore, #tpu.memory_space<semaphore_mem>>)
      %dma_wait3A_54 = arith.constant 0 : i32
      %dma_wait3A_55 = arith.constant 0 : i32
      %dma_wait3A_56 = tpu.memref_slice %arg6[%arg0, %dma_wait3A_54, %dma_wait3A_55] : memref<2x10112x128xf32, #tpu.memory_space<hbm>> -> memref<1x10112x128xf32, #tpu.memory_space<hbm>>
      %dma_wait3A_57 = tpu.memref_squeeze %dma_wait3A_56 : memref<1x10112x128xf32, #tpu.memory_space<hbm>> -> memref<10112x128xf32, #tpu.memory_space<hbm>>
      %dma_wait3A_58 = arith.constant 0 : i32
      %dma_wait3A_59 = tpu.memref_slice %dma_wait3A_57[%mul3A_45, %dma_wait3A_58] : memref<10112x128xf32, #tpu.memory_space<hbm>> -> memref<632x128xf32, #tpu.memory_space<hbm>>
      %dma_wait3A_60 = arith.constant 0 : i32
      %dma_wait3A_61 = tpu.memref_slice %arg11[%mul3A_43, %dma_wait3A_60] : memref<10112x128xf32, #tpu.memory_space<vmem_shared>> -> memref<632x128xf32, #tpu.memory_space<vmem_shared>>
      tpu.wait_dma2 semaphore(%run_scoped3A : memref<!tpu.dma_semaphore, #tpu.memory_space<semaphore_mem>>) src(%dma_wait3A_61 : memref<632x128xf32, #tpu.memory_space<vmem_shared>>) dst(%dma_wait3A_59 : memref<632x128xf32, #tpu.memory_space<hbm>>)
      tpu.yield
    }) : () -> ()
    return
  }
}

module attributes {stable_mosaic.version = 14 : i64} {
  func.func @body(%arg0: memref<10000x128xf32, #tpu.memory_space<vmem>>, %arg1: memref<128x16xf32, #tpu.memory_space<vmem>>, %arg2: memref<1x16xf32, #tpu.memory_space<vmem>>, %arg3: memref<2x10112x128xf32, #tpu.memory_space<vmem>>, %arg4: memref<10000x128xf32, #tpu.memory_space<vmem>>) attributes {dimension_semantics = [], scalar_prefetch = 0 : i64, scratch_operands = 0 : i64, tpu.core_type = #tpu.core_type<tc>} {
    %get3A = arith.constant 0 : index
    %get3A_0 = arith.constant 0 : index
    %get3A_1 = arith.constant 0 : index
    %get3A_2 = vector.load %arg3[%get3A, %get3A_0, %get3A_1] : memref<2x10112x128xf32, #tpu.memory_space<vmem>>, vector<1x10112x1xf32>
    %get3A_3 = vector.shape_cast %get3A_2 : vector<1x10112x1xf32> to vector<10112xf32>
    %get3A_4 = arith.constant 1 : index
    %get3A_5 = arith.constant 0 : index
    %get3A_6 = arith.constant 0 : index
    %get3A_7 = vector.load %arg3[%get3A_4, %get3A_5, %get3A_6] : memref<2x10112x128xf32, #tpu.memory_space<vmem>>, vector<1x10112x1xf32>
    %get3A_8 = vector.shape_cast %get3A_7 : vector<1x10112x1xf32> to vector<10112xf32>
    %add3A = arith.addf %get3A_3, %get3A_8 : vector<10112xf32>
    %add3A_9 = arith.constant 1.000000e+00 : f32
    %add3A_10 = vector.broadcast %add3A_9 : f32 to vector<10112xf32>
    %add3A_11 = arith.addf %add3A, %add3A_10 : vector<10112xf32>
    %rsqrt3A = math.rsqrt %add3A_11 : vector<10112xf32>
    %slice3A = vector.extract_strided_slice %rsqrt3A {offsets = [0], sizes = [10000], strides = [1]} : vector<10112xf32> to vector<10000xf32>
    %broadcast_in_dim3A = vector.shape_cast %slice3A : vector<10000xf32> to vector<10000x1xf32>
    %get3A_12 = arith.constant 0 : index
    %get3A_13 = arith.constant 0 : index
    %get3A_14 = vector.load %arg0[%get3A_12, %get3A_13] : memref<10000x128xf32, #tpu.memory_space<vmem>>, vector<10000x128xf32>
    %get3A_15 = arith.constant 0 : index
    %get3A_16 = arith.constant 0 : index
    %get3A_17 = vector.load %arg1[%get3A_15, %get3A_16] : memref<128x16xf32, #tpu.memory_space<vmem>>, vector<128x16xf32>
    %dot_general3A = arith.constant dense<0.000000e+00> : vector<10000x16xf32>
    %dot_general3A_18 = tpu.matmul %get3A_14, %get3A_17, %dot_general3A {dimension_numbers = #tpu.dot_dimension_numbers<[1], [0], [0], [1], [0, 0, 1, 1], [], []>, transpose_lhs_hint = false} : vector<10000x128xf32>, vector<128x16xf32>, vector<10000x16xf32> -> vector<10000x16xf32>
    %get3A_19 = arith.constant 0 : index
    %get3A_20 = arith.constant 0 : index
    %get3A_21 = vector.load %arg2[%get3A_19, %get3A_20] : memref<1x16xf32, #tpu.memory_space<vmem>>, vector<1x16xf32>
    %add3A_22 = vector.broadcast %get3A_21 : vector<1x16xf32> to vector<10000x16xf32>
    %add3A_23 = arith.addf %dot_general3A_18, %add3A_22 : vector<10000x16xf32>
    %mul3A = vector.broadcast %broadcast_in_dim3A : vector<10000x1xf32> to vector<10000x16xf32>
    %mul3A_24 = arith.mulf %add3A_23, %mul3A : vector<10000x16xf32>
    %jit3A = arith.constant 0 : i32
    %convert_element_type3A = arith.sitofp %jit3A : i32 to f32
    %pad3A = vector.broadcast %convert_element_type3A : f32 to vector<10000x112xf32>
    %pad3A_25 = tpu.concatenate %mul3A_24, %pad3A in 1 : vector<10000x16xf32>, vector<10000x112xf32> -> vector<10000x128xf32>
    %swap3A = arith.constant 0 : index
    %swap3A_26 = arith.constant 0 : index
    %swap3A_27 = vector.load %arg4[%swap3A, %swap3A_26] : memref<10000x128xf32, #tpu.memory_space<vmem>>, vector<10000x128xf32>
    tpu.vector_store %arg4[%swap3A, %swap3A_26], %pad3A_25 {strides = array<i32>} : memref<10000x128xf32, #tpu.memory_space<vmem>>, vector<10000x128xf32>,
    return
  }
}

module attributes {stable_mosaic.version = 14 : i64} {
  func.func @body(%arg0: memref<2x10112x128xf32, #tpu.memory_space<vmem>>, %arg1: memref<2x10112x128xf32, #tpu.memory_space<vmem>>, %arg2: memref<10000x128xf32, #tpu.memory_space<vmem>>, %arg3: memref<10000x40xf32, #tpu.memory_space<vmem>>) attributes {dimension_semantics = [], scalar_prefetch = 0 : i64, scratch_operands = 0 : i64, tpu.core_type = #tpu.core_type<tc>} {
    %get3A = arith.constant 0 : index
    %get3A_0 = arith.constant 0 : index
    %get3A_1 = arith.constant 0 : index
    %get3A_2 = vector.load %arg1[%get3A, %get3A_0, %get3A_1] : memref<2x10112x128xf32, #tpu.memory_space<vmem>>, vector<1x10112x1xf32>
    %get3A_3 = vector.shape_cast %get3A_2 : vector<1x10112x1xf32> to vector<10112xf32>
    %get3A_4 = arith.constant 1 : index
    %get3A_5 = arith.constant 0 : index
    %get3A_6 = arith.constant 0 : index
    %get3A_7 = vector.load %arg1[%get3A_4, %get3A_5, %get3A_6] : memref<2x10112x128xf32, #tpu.memory_space<vmem>>, vector<1x10112x1xf32>
    %get3A_8 = vector.shape_cast %get3A_7 : vector<1x10112x1xf32> to vector<10112xf32>
    %add3A = arith.addf %get3A_3, %get3A_8 : vector<10112xf32>
    %add3A_9 = arith.constant 1.000000e+00 : f32
    %add3A_10 = vector.broadcast %add3A_9 : f32 to vector<10112xf32>
    %add3A_11 = arith.addf %add3A, %add3A_10 : vector<10112xf32>
    %rsqrt3A = math.rsqrt %add3A_11 : vector<10112xf32>
    %slice3A = vector.extract_strided_slice %rsqrt3A {offsets = [0], sizes = [10000], strides = [1]} : vector<10112xf32> to vector<10000xf32>
    %broadcast_in_dim3A = vector.shape_cast %slice3A : vector<10000xf32> to vector<10000x1xf32>
    %get3A_12 = arith.constant 0 : index
    %get3A_13 = arith.constant 0 : index
    %get3A_14 = arith.constant 0 : index
    %get3A_15 = vector.load %arg0[%get3A_12, %get3A_13, %get3A_14] : memref<2x10112x128xf32, #tpu.memory_space<vmem>>, vector<1x10000x40xf32>
    %get3A_16 = vector.shape_cast %get3A_15 : vector<1x10000x40xf32> to vector<10000x40xf32>
    %get3A_17 = arith.constant 1 : index
    %get3A_18 = arith.constant 0 : index
    %get3A_19 = arith.constant 0 : index
    %get3A_20 = vector.load %arg0[%get3A_17, %get3A_18, %get3A_19] : memref<2x10112x128xf32, #tpu.memory_space<vmem>>, vector<1x10000x40xf32>
    %get3A_21 = vector.shape_cast %get3A_20 : vector<1x10000x40xf32> to vector<10000x40xf32>
    %add3A_22 = arith.addf %get3A_16, %get3A_21 : vector<10000x40xf32>
    %mul3A = vector.broadcast %broadcast_in_dim3A : vector<10000x1xf32> to vector<10000x40xf32>
    %mul3A_23 = arith.mulf %mul3A, %add3A_22 : vector<10000x40xf32>
    %get3A_24 = arith.constant 0 : index
    %get3A_25 = arith.constant 0 : index
    %get3A_26 = vector.load %arg2[%get3A_24, %get3A_25] : memref<10000x128xf32, #tpu.memory_space<vmem>>, vector<10000x40xf32>
    %mul3A_27 = vector.broadcast %broadcast_in_dim3A : vector<10000x1xf32> to vector<10000x40xf32>
    %mul3A_28 = arith.mulf %mul3A_27, %get3A_26 : vector<10000x40xf32>
    %add3A_29 = arith.addf %mul3A_23, %mul3A_28 : vector<10000x40xf32>
    %swap3A = arith.constant 0 : index
    %swap3A_30 = arith.constant 0 : index
    %swap3A_31 = vector.load %arg3[%swap3A, %swap3A_30] : memref<10000x40xf32, #tpu.memory_space<vmem>>, vector<10000x40xf32>
    tpu.vector_store %arg3[%swap3A, %swap3A_30], %add3A_29 {strides = array<i32>} : memref<10000x40xf32, #tpu.memory_space<vmem>>, vector<10000x40xf32>,
    return
  }
}

module attributes {stable_mosaic.version = 14 : i64} {
  func.func @body(%arg0: memref<2x10112x128xf32, #tpu.memory_space<vmem>>, %arg1: memref<2x10112x128xf32, #tpu.memory_space<vmem>>, %arg2: memref<10000x128xf32, #tpu.memory_space<vmem>>, %arg3: memref<16x40xf32, #tpu.memory_space<vmem>>, %arg4: memref<1x40xf32, #tpu.memory_space<vmem>>, %arg5: memref<10000x128xf32, #tpu.memory_space<vmem>>) attributes {dimension_semantics = [], scalar_prefetch = 0 : i64, scratch_operands = 0 : i64, tpu.core_type = #tpu.core_type<tc>} {
    %get3A = arith.constant 0 : index
    %get3A_0 = arith.constant 0 : index
    %get3A_1 = arith.constant 0 : index
    %get3A_2 = vector.load %arg1[%get3A, %get3A_0, %get3A_1] : memref<2x10112x128xf32, #tpu.memory_space<vmem>>, vector<1x10112x1xf32>
    %get3A_3 = vector.shape_cast %get3A_2 : vector<1x10112x1xf32> to vector<10112xf32>
    %get3A_4 = arith.constant 1 : index
    %get3A_5 = arith.constant 0 : index
    %get3A_6 = arith.constant 0 : index
    %get3A_7 = vector.load %arg1[%get3A_4, %get3A_5, %get3A_6] : memref<2x10112x128xf32, #tpu.memory_space<vmem>>, vector<1x10112x1xf32>
    %get3A_8 = vector.shape_cast %get3A_7 : vector<1x10112x1xf32> to vector<10112xf32>
    %add3A = arith.addf %get3A_3, %get3A_8 : vector<10112xf32>
    %add3A_9 = arith.constant 1.000000e+00 : f32
    %add3A_10 = vector.broadcast %add3A_9 : f32 to vector<10112xf32>
    %add3A_11 = arith.addf %add3A, %add3A_10 : vector<10112xf32>
    %rsqrt3A = math.rsqrt %add3A_11 : vector<10112xf32>
    %slice3A = vector.extract_strided_slice %rsqrt3A {offsets = [0], sizes = [10000], strides = [1]} : vector<10112xf32> to vector<10000xf32>
    %broadcast_in_dim3A = vector.shape_cast %slice3A : vector<10000xf32> to vector<10000x1xf32>
    %get3A_12 = arith.constant 0 : index
    %get3A_13 = arith.constant 0 : index
    %get3A_14 = arith.constant 0 : index
    %get3A_15 = vector.load %arg0[%get3A_12, %get3A_13, %get3A_14] : memref<2x10112x128xf32, #tpu.memory_space<vmem>>, vector<1x10000x16xf32>
    %get3A_16 = vector.shape_cast %get3A_15 : vector<1x10000x16xf32> to vector<10000x16xf32>
    %get3A_17 = arith.constant 1 : index
    %get3A_18 = arith.constant 0 : index
    %get3A_19 = arith.constant 0 : index
    %get3A_20 = vector.load %arg0[%get3A_17, %get3A_18, %get3A_19] : memref<2x10112x128xf32, #tpu.memory_space<vmem>>, vector<1x10000x16xf32>
    %get3A_21 = vector.shape_cast %get3A_20 : vector<1x10000x16xf32> to vector<10000x16xf32>
    %add3A_22 = arith.addf %get3A_16, %get3A_21 : vector<10000x16xf32>
    %mul3A = vector.broadcast %broadcast_in_dim3A : vector<10000x1xf32> to vector<10000x16xf32>
    %mul3A_23 = arith.mulf %mul3A, %add3A_22 : vector<10000x16xf32>
    %get3A_24 = arith.constant 0 : index
    %get3A_25 = arith.constant 0 : index
    %get3A_26 = vector.load %arg2[%get3A_24, %get3A_25] : memref<10000x128xf32, #tpu.memory_space<vmem>>, vector<10000x16xf32>
    %mul3A_27 = vector.broadcast %broadcast_in_dim3A : vector<10000x1xf32> to vector<10000x16xf32>
    %mul3A_28 = arith.mulf %mul3A_27, %get3A_26 : vector<10000x16xf32>
    %add3A_29 = arith.addf %mul3A_23, %mul3A_28 : vector<10000x16xf32>
    %max3A = arith.constant 0.000000e+00 : f32
    %max3A_30 = vector.broadcast %max3A : f32 to vector<10000x16xf32>
    %max3A_31 = arith.maximumf %add3A_29, %max3A_30 : vector<10000x16xf32>
    %get3A_32 = arith.constant 0 : index
    %get3A_33 = arith.constant 0 : index
    %get3A_34 = vector.load %arg3[%get3A_32, %get3A_33] : memref<16x40xf32, #tpu.memory_space<vmem>>, vector<16x40xf32>
    %dot_general3A = arith.constant dense<0.000000e+00> : vector<10000x40xf32>
    %dot_general3A_35 = tpu.matmul %max3A_31, %get3A_34, %dot_general3A {dimension_numbers = #tpu.dot_dimension_numbers<[1], [0], [0], [1], [0, 0, 1, 1], [], []>, transpose_lhs_hint = false} : vector<10000x16xf32>, vector<16x40xf32>, vector<10000x40xf32> -> vector<10000x40xf32>
    %get3A_36 = arith.constant 0 : index
    %get3A_37 = arith.constant 0 : index
    %get3A_38 = vector.load %arg4[%get3A_36, %get3A_37] : memref<1x40xf32, #tpu.memory_space<vmem>>, vector<1x40xf32>
    %add3A_39 = vector.broadcast %get3A_38 : vector<1x40xf32> to vector<10000x40xf32>
    %add3A_40 = arith.addf %dot_general3A_35, %add3A_39 : vector<10000x40xf32>
    %mul3A_41 = vector.broadcast %broadcast_in_dim3A : vector<10000x1xf32> to vector<10000x40xf32>
    %mul3A_42 = arith.mulf %add3A_40, %mul3A_41 : vector<10000x40xf32>
    %jit3A = arith.constant 0 : i32
    %convert_element_type3A = arith.sitofp %jit3A : i32 to f32
    %pad3A = vector.broadcast %convert_element_type3A : f32 to vector<10000x88xf32>
    %pad3A_43 = tpu.concatenate %mul3A_42, %pad3A in 1 : vector<10000x40xf32>, vector<10000x88xf32> -> vector<10000x128xf32>
    %swap3A = arith.constant 0 : index
    %swap3A_44 = arith.constant 0 : index
    %swap3A_45 = vector.load %arg5[%swap3A, %swap3A_44] : memref<10000x128xf32, #tpu.memory_space<vmem>>, vector<10000x128xf32>
    tpu.vector_store %arg5[%swap3A, %swap3A_44], %pad3A_43 {strides = array<i32>} : memref<10000x128xf32, #tpu.memory_space<vmem>>, vector<10000x128xf32>,
    return
  }
}

</mosaic_0001>

<sc_bundles>
// kernel: kernel.11.cloned.1.call-start
scs
__scs_entry_jumppad:
0x0: {  	(pc) =	sbr.rel $0x88, $3  }
0x1: {  	(tag) =	ssettag $0x0;
	lr =	simm.s32 $0x1  }
0x2: {  	[smem:$0x3F9B] =	sst lr;
	_ =	strace $0xD0000000  }
0x3: {  	_ = 	snop  }
0x4: {  	_ = 	snop  }
0x5: {  	_ = 	snop  }
0x6: {  	_ = 	snop  }
0x7: {  	_ = 	snop  }
__scs_overlays_trampoline_lowered:
0x8: {  	[smem:$0x3FAA] =	sst s0  }
0x9: {  	[smem:$0x3FAB] =	sst s1  }
0xa: {  	[smem:$0x3FAC] =	sst s2  }
0xb: {  	[smem:$0x3FAD] =	sst s3  }
0xc: {  	[smem:$0x3FAE] =	sst s4  }
0xd: {  	[smem:$0x3FAF] =	sst s5  }
0xe: {  	[smem:$0x3FB0] =	sst s6  }
0xf: {  	[smem:$0x3FB1] =	sst s7  }
0x10: {  	[smem:$0x3FB2] =	sst s8  }
0x11: {  	[smem:$0x3FB3] =	sst s9;
	s0 =	simm.s32 @!p0 $0x0  }
0x12: {  	s1 =	sld [smem:$0x3F99];
	s0 =	simm.s32 @p0 $0x1  }
0x13: {  	[smem:$0x3FB4] =	sst s0;
	s0 =	simm.s32 @!p1 $0x0  }
0x14: {  	s2 =	sld [smem:$0x3F98];
	s0 =	simm.s32 @p1 $0x1  }
0x15: {  	[smem:$0x3FB5] =	sst s0;
	s0 =	simm.s32 @!p2 $0x0  }
0x16: {  	s3 =	sld [smem:$0x3FDB];
	s0 =	simm.s32 @p2 $0x1  }
0x17: {  	s4 =	simm.s32 $0x1BF5;
	[smem:$0x3FB7] =	sst s0  }
0x18: {  	s0 =	sld [smem:$0x3F9A];
	_ =	swait.ge [sflag:s4], $0x0  }
0x19: {  	s7 =	sld [smem:$0x3F9B]  }
0x1a: {  	s8 =	sadd.s32 $0xFFFFE003, lr  }
0x1b: {  	s9 =	sadd.s32 $0xFFFFFEF7, lr;
	s5 =	simm.s32 $0xFFFFFFFF;
	p2 =	slt.u32 s8, $0xFFFFF086  }
0x1c: {  	p1 =	slt.u32 s9, $0xF7A;
	s5 =	simm.s32 @!p2 $0x0  }
0x1d: {  	s5 =	simm.s32 @p1 $0x1;
	p0 =	seq.s32 s7, s2  }
0x1e: {  	s7 =	smul.u32 @!p0 $0xF7A, s2;
	p2 =	seq.s32 @!p0 s5, $0x0  }
0x1f: {  	s9 =	smul.u32 $0xF7A, s1;
	s8 =	simm.s32 @!p0 $0x1BF5;
	p2 =	por !p2, p0  }
0x20: {  	[sflag:s8] =	ssyncset.s32 @!p0 $0xFFFFF086;
	s6 =	sadd.s32 @!p0 s3, s7;
	s7 =	simm.s32 @!p0 $0x108  }
0x21: {  	s3 =	sadd.s32 s3, s9;
	s6 =	sadd.s32 @!p0 $0x88, s6;
	s7 =	simm.s32 @p2 $0x1082  }
0x22: {  	[simem:s7], [sflag:s8] =	dma.local @!p0 [hbm:s6], $0xF7A  }
0x23: {  	s9 =	sor.u32 $0xD0000000, s2;
	s6 =	simm.s32 $0x108;
	_ =	swait.ge @!p0 [sflag:s8], $0x0  }
0x24: {  	s3 =	sadd.s32 $0x88, s3;
	s6 =	simm.s32 @!p1 $0x1082;
	[sflag:s4] =	ssyncset.s32 $0xFFFFF086  }
0x25: {  	[simem:s6], [sflag:s4] =	dma.local [hbm:s3], $0xF7A  }
0x26: {  	[smem:$0x3F9B] =	sst s1;
	(tag) =	ssettag s2;
	_ =	strace s9  }
0x27: {  	s1 =	sld [smem:$0x3FAB]  }
0x28: {  	s2 =	sld [smem:$0x3FAC]  }
0x29: {  	s4 =	sld [smem:$0x3FAE]  }
0x2a: {  	p0 =	seq.s32 s5, $0x0;
	s5 =	sld [smem:$0x3FAF]  }
0x2b: {  	s6 =	sld [smem:$0x3FB0]  }
0x2c: {  	s7 =	sld [smem:$0x3FB1]  }
0x2d: {  	s3 =	simm.s32 $0x108;
	s8 =	sld [smem:$0x3FB2]  }
0x2e: {  	s3 =	simm.s32 @!p0 $0x1082;
	s9 =	sld [smem:$0x3FB3]  }
0x2f: {  	lr =	sadd.s32 s0, s3;
	s0 =	sld [smem:$0x3FAA]  }
0x30: {  	s3 =	sld [smem:$0x3FAD]  }
0x31: {  	[smem:$0x3FB6] =	sst s10  }
0x32: {  	s10 =	sld [smem:$0x3FB4];
	_ =	sdelay $0x3  }
0x33: {  	p0 =	seq.s32 s10, $0x1;
	s10 =	sld [smem:$0x3FB6];
	_ =	sdelay $0x3  }
0x34: {  	[smem:$0x3FB6] =	sst s10  }
0x35: {  	s10 =	sld [smem:$0x3FB5];
	_ =	sdelay $0x3  }
0x36: {  	p1 =	seq.s32 s10, $0x1;
	s10 =	sld [smem:$0x3FB6];
	_ =	sdelay $0x3  }
0x37: {  	[smem:$0x3FB6] =	sst s10  }
0x38: {  	s10 =	sld [smem:$0x3FB7]  }
0x39: {  	_ = 	snop;
	(pc) =	sbr.ind lr, $3  }
0x3a: {  	_ = 	snop  }
0x3b: {  	_ = 	snop  }
0x3c: {  	p2 =	seq.s32 s10, $0x1;
	s10 =	sld [smem:$0x3FB6]  }
0x3d: {  	_ =	shalt  }
0x3e: {  	_ =	shalt  }
0x3f: {  	_ =	shalt  }
0x40: {  	_ =	shalt  }
0x41: {  	_ =	shalt  }
0x42: {  	_ =	shalt  }
0x43: {  	_ =	shalt  }
0x44: {  	_ =	shalt  }
0x45: {  	_ =	shalt  }
0x46: {  	_ =	shalt  }
0x47: {  	_ =	shalt  }
0x48: {  	_ =	shalt  }
0x49: {  	_ =	shalt  }
0x4a: {  	_ =	shalt  }
0x4b: {  	_ =	shalt  }
0x4c: {  	_ =	shalt  }
0x4d: {  	_ =	shalt  }
0x4e: {  	_ =	shalt  }
0x4f: {  	_ =	shalt  }
0x50: {  	_ =	shalt  }
0x51: {  	_ =	shalt  }
0x52: {  	_ =	shalt  }
0x53: {  	_ =	shalt  }
0x54: {  	_ =	shalt  }
0x55: {  	_ =	shalt  }
0x56: {  	_ =	shalt  }
0x57: {  	_ =	shalt  }
0x58: {  	_ =	shalt  }
0x59: {  	_ =	shalt  }
0x5a: {  	_ =	shalt  }
0x5b: {  	_ =	shalt  }
0x5c: {  	_ =	shalt  }
0x5d: {  	_ =	shalt  }
0x5e: {  	_ =	shalt  }
0x5f: {  	_ =	shalt  }
0x60: {  	_ =	shalt  }
0x61: {  	_ =	shalt  }
0x62: {  	_ =	shalt  }
0x63: {  	_ =	shalt  }
0x64: {  	_ =	shalt  }
0x65: {  	_ =	shalt  }
0x66: {  	_ =	shalt  }
0x67: {  	_ =	shalt  }
0x68: {  	_ =	shalt  }
0x69: {  	_ =	shalt  }
0x6a: {  	_ =	shalt  }
0x6b: {  	_ =	shalt  }
0x6c: {  	_ =	shalt  }
0x6d: {  	_ =	shalt  }
0x6e: {  	_ =	shalt  }
0x6f: {  	_ =	shalt  }
0x70: {  	_ =	shalt  }
0x71: {  	_ =	shalt  }
0x72: {  	_ =	shalt  }
0x73: {  	_ =	shalt  }
0x74: {  	_ =	shalt  }
0x75: {  	_ =	shalt  }
0x76: {  	_ =	shalt  }
0x77: {  	_ =	shalt  }
0x78: {  	_ =	shalt  }
0x79: {  	_ =	shalt  }
0x7a: {  	_ =	shalt  }
0x7b: {  	_ =	shalt  }
0x7c: {  	_ =	shalt  }
0x7d: {  	_ =	shalt  }
0x7e: {  	_ =	shalt  }
0x7f: {  	_ =	shalt  }
0x80: {  	_ =	shalt  }
0x81: {  	_ =	shalt  }
0x82: {  	_ =	shalt  }
0x83: {  	_ =	shalt  }
0x84: {  	_ =	shalt  }
0x85: {  	_ =	shalt  }
0x86: {  	_ =	shalt  }
0x87: {  	_ =	shalt  }
.Lfunc_end0:
.L_simem_size_0:
called_computation.1_lowered:
.L_overlay_start_0:
0x88: {  	s2 =	sld [smem:$0x3FD9]  }
0x89: {  	s3 =	sld [smem:$0x3FFE];
	_ =	sdelay $0x1  }
0x8a: {  	s1 =	srdreg.scid  }
0x8b: {  	s0 =	sand.u32 $0x1, s1  }
0x8c: {  	s17 =	sshll.u32 s0, $0xA;
	s2 =	sadd.s32 s3, s2  }
0x8d: {  	s2 =	sadd.s32 s2, s17  }
0x8e: {  	[smem:$0x3FC2] =	sst s2  }
0x8f: {  	_ = 	snop  }
0x90: {  	s2 =	sld [smem:$0x3FD0];
	(tm) =	ssettm $0x1  }
0x91: {  	s18 =	sld [smem:$0x3FFB];
	_ =	sdelay $0x3  }
0x92: {  	_ =	strace s18  }
0x93: {  	s3 =	sld [smem:$0x3FFC];
	_ =	sdelay $0x3  }
0x94: {  	_ =	strace s3  }
0x95: {  	s3 =	sld [smem:$0x3FFD];
	_ =	sdelay $0x3  }
0x96: {  	_ =	strace s3  }
0x97: {  	_ =	strace $0x8FFFFFFF  }
0x98: {  	s19 =	sld [smem:$0x3FDB];
	_ =	sdelay $0x1  }
0x99: {  	s4 =	simm.s32 $_scs_section_size  }
0x9a: {  	s5 =	simm.s32 $_size__tile_overlayer_lowered;
	s6 =	simm.s32 $_tile_overlayer_lowered  }
0x9b: {  	s22 =	simm.s32 $0x1BFF;
	s21 =	sshll.u32 s6, $0x1;
	s3 =	sadd.s32 s4, s19  }
0x9c: {  	s7 =	simm.s32 $0x0;
	s20 =	sshll.u32 s5, $0x1;
	s5 =	sadd.s32 s21, s3  }
0x9d: {  	[timem:s7], [sflag:s22] =	dma.local [hbm:s5], s20  }
0x9e: {  	_ =	swait.ge [sflag:s22], s20  }
0x9f: {  	s4 =	ssub.s32 $0x0, s20;
	[sflag:s22] =	ssyncset.done $0x0  }
0xa0: {  	[sflag:s22] =	ssyncadd.s32 s4;
	_ =	sdelay $0x1  }
0xa1: {  	s23 =	simm.s32 $0x1B8B  }
0xa2: {  	_ =	swait.ge [sflag:s23], $0x1  }
0xa3: {  	[sflag:s23] =	ssyncset.done $0x0  }
0xa4: {  	s25 =	simm.s32 $0x1B8E;
	s24 =	sld [smem:$0x3FFE];
	[sflag:s23] =	ssyncadd.s32 $0xFFFFFFFF  }
0xa5: {  	s26 =	simm.s32 $execute0_lowered;
	[smem:$0x3FD2] =	sst s25  }
0xa6: {  	s5 =	sshll.u32 s26, $0x1;
	_ =	strace $0x80000049;
	[dreg:$0x1] =	wrdreg $0xFFFFFFFF  }
0xa7: {  	s28 =	simm.s32 $_size_execute0_lowered;
	s3 =	sadd.s32 s3, s5;
	[dreg:$0x0] =	wrdreg $0x0  }
0xa8: {  	s5 =	sshll.u32 s28, $0x1;
	[dreg:$0x2] =	wrdreg s3  }
0xa9: {  	[dreg:$0x3] =	wrdreg s5  }
0xaa: {  	[dreg:$0x4] =	wrdreg $0xC0  }
0xab: {  	_ =	task [dreg:s7], $0x5FFFF  }
0xac: {  	[dreg:$0x1] =	wrdreg $0xFFFFFFFF  }
0xad: {  	[dreg:$0x0] =	wrdreg $0x60  }
0xae: {  	[dreg:$0x2] =	wrdreg s24  }
0xaf: {  	[dreg:$0x3] =	wrdreg s2  }
0xb0: {  	[dreg:$0x4] =	wrdreg $0x94000  }
0xb1: {  	[dreg:$0x5] =	wrdreg $0x9  }
0xb2: {  	_ =	task.clear_ibuf [dreg:s7], $0x6FFFF;
	_ =	strace $0x90000049  }
0xb3: {  	s29 =	simm.s32 $0x9;
	_ =	strace $0x8000004B  }
0xb4: {  	_ =	swait.ge [sflag:s29], $0x1  }
0xb5: {  	[sflag:s29] =	ssyncadd.s32 $0xFFFFFFFF  }
0xb6: {  	_ =	strace $0x9000004B  }
0xb7: {  	_ =	sfence  }
0xb8: {  	s30 =	sld [smem:$0x0];
	_ =	sdelay $0x2  }
0xb9: {  	s31 =	sshll.u32 s1, $0xD;
	s1 =	sshrl.u32 s1, $0x2  }
0xba: {  	s3 =	sand.u32 $0x4000, s31;
	s1 =	sadd.s32 s1, s30  }
0xbb: {  	s0 =	sor.u32 s3, s0;
	s1 =	sshll.u32 s1, $0x11  }
0xbc: {  	s0 =	sor.u32 s1, s0  }
0xbd: {  	s0 =	sadd.s32 $0x8F2B, s0  }
0xbe: {  	[sflag:s0] =	ssyncadd.remote.s32 $0x1  }
0xbf: {  	_ =	sfence.sel $0xFFFF  }
0xc0: {  	[dreg:$0x0] =	wrdreg $0xFFFFFFFF;
	(pc) =	sbr.abs _section_cstart, $3  }
0xc1: {  	[dreg:$0x1] =	wrdreg $0xFFFFFFFF  }
0xc2: {  	_ =	task.clear_ibuf [dreg:s7], $0x2FFFF;
	_ =	strace $0x9FFFFFFF  }
0xc3: {  	(tm) =	ssettm $0x7FFFFFFF  }
tec
execute0_lowered:
.L_overlay_start_1:
0x0: {  	(tag) =	ssettag $0x1  }
0x1: {  	s5 =	rddreg [dreg:$0x0];
	s1 =	srdreg.scid  }
0x2: {  	s0 =	stileid.u32;
	s6 =	rddreg [dreg:$0x1]  }
0x3: {  	s2 =	rddreg [dreg:$0x2];
	s3 =	simm.s32 $0x0;
	s15 =	simm.s32 $0x5400  }
0x4: {  	s16 =	simm.s32 $0x7400;
	s17 =	simm.s32 $0x1;
	s18 =	simm.s32 $0x2  }
0x5: {  	s7 =	sand.u32 $0x1, s1;
	s1 =	rddreg [dreg:$0x3];
	s19 =	smul.u32 $0x2780, s0  }
0x6: {  	s28 =	sshll.u32 s0, $0x1;
	[smem:$0x7FF] =	sst s3;
	s11 =	smul.u32 $0x4F000, s0  }
0x7: {  	s31 =	sshll.u32 s0, $0x6;
	s4 =	sor.u32 s7, s28;
	s9 =	smul.u32 $0x27800, s7  }
0x8: {  	_ =	strace $0x8000004A;
	s7 =	ssub.s32 $0x2, s7;
	s8 =	smul.u32 $0x500, s4  }
0x9: {  	s4 =	sadd.s32 $0x83A00, s5;
	s12 =	sadd.s32 s19, s5;
	s29 =	sshrl.u32 s7, $0x1  }
0xa: {  	s30 =	sshrl.u32 s11, $0x2;
	s11 =	simm.s32 $0x2C00;
	s9 =	sadd.s32 s9, s5  }
0xb: {  	s13 =	ssub.s32 s7, s29;
	s14 =	sadd.s32 s30, s2;
	s7 =	sadd.s32 $0xD200, s12  }
0xc: {  	s12 =	sor.u32 $0x1C03, s31;
	s10 =	sadd.s32 s8, s5;
	s5 =	sadd.s32 s6, s8  }
0xd: {  	s20 =	sadd.s32 $0xAAC00, s9;
	s8 =	smax.u32 s13, $0x1;
	s9 =	simm.s32 $0x3  }
0xe: {  	s13 =	sshrl.u32 s14, $0x3;
	s14 =	simm.s32 $0x40;
	s6 =	sadd.s32 $0x2A00, s10  }
0xf: {  	s10 =	simm.s32 $0x2800;
	s19 =	sadd.s32 s19, s20;
	s20 =	simm.s32 $0x0  }
.LBB2_1:
0x10: {  	[tilespmem:s3], [sflag:$0x3] =	stream.linear.gather [hbm4b:s5+s3], $0x2800, $0x38;
	[tilespmem:$0x1D000] =	vst v63  }
0x11: {  	_ =	swait.ge [sflag:s9], $0x2800  }
0x12: {  	[sflag:s9] =	ssyncset.done $0x0  }
0x13: {  	[sflag:s9] =	ssyncadd.s32 $0xFFFFD800  }
0x14: {  	[tilespmem:s10], [sflag:$0x3] =	stream.linear.gather [hbm4b:s5+s3], $0x80, $0x38;
	[tilespmem:$0x1D000] =	vst v63  }
0x15: {  	_ =	swait.ge [sflag:s9], $0x80  }
0x16: {  	[sflag:s9] =	ssyncset.done $0x0  }
0x17: {  	[sflag:s9] =	ssyncadd.s32 $0xFFFFFF80  }
0x18: {  	[tilespmem:s11], [sflag:$0x3] =	stream.linear.gather [hbm4b:s6+s3], $0x2800, $0x38;
	[tilespmem:$0x1D000] =	vst v63  }
0x19: {  	_ =	swait.ge [sflag:s9], $0x2800  }
0x1a: {  	[sflag:s9] =	ssyncset.done $0x0  }
0x1b: {  	[sflag:s9] =	ssyncadd.s32 $0xFFFFD800  }
0x1c: {  	[spmem:s13], [sflag:s12] =	dma.local [hbm:s7], $0x2780  }
0x1d: {  	_ =	swait.ge [sflag:s9], $0x2780  }
0x1e: {  	[sflag:s9] =	ssyncset.done $0x0  }
0x1f: {  	[sflag:s9] =	ssyncadd.s32 $0xFFFFD880  }
0x20: {  	[bflag:$0x0] =	sbarrier.arrive $0xFFFF  }
0x21: {  	[tilespmem:s15], [sflag:$0x1] =	stream.indirect.gather [hbm4b:s4+s14], $0x80, s3, s14, $0xb8;
	[tilespmem:$0x1D000] =	vst v63  }
0x22: {  	_ = 	snop  }
0x23: {  	[tilespmem:s16], [sflag:$0x2] =	stream.indirect.gather [hbm4b:s4+s14], $0x80, s14, s14, $0xb8;
	[tilespmem:$0x1D000] =	vst v63  }
0x24: {  	_ =	swait.ge [sflag:s17], $0x2000  }
0x25: {  	[sflag:s17] =	ssyncset.done $0x0  }
0x26: {  	s21 =	simm.s32 $0x2C00;
	[sflag:s17] =	ssyncadd.s32 $0xFFFFE000  }
0x27: {  	[spmem:s2] =	stream.indirect.scatter.add.f32 [tilespmem:s15], [sflag:$0x3], $0x80, s21, s14, $0xb8;
	[tilespmem:$0x1D000] =	vst v63  }
0x28: {  	_ =	swait.ge [sflag:s9], $0x2000  }
0x29: {  	[sflag:s9] =	ssyncset.done $0x0  }
0x2a: {  	s30 =	simm.s32 $0x80;
	[sflag:s9] =	ssyncadd.s32 $0xFFFFE000  }
0x2b: {  	[tilespmem:s15], [sflag:$0x1] =	stream.indirect.gather [hbm4b:s4+s14], $0x80, s30, s14, $0xb8;
	[tilespmem:$0x1D000] =	vst v63  }
0x2c: {  	_ =	swait.ge [sflag:s18], $0x2000  }
0x2d: {  	[sflag:s18] =	ssyncset.done $0x0  }
0x2e: {  	s31 =	simm.s32 $0x2C40;
	[sflag:s18] =	ssyncadd.s32 $0xFFFFE000  }
0x2f: {  	[spmem:s2] =	stream.indirect.scatter.add.f32 [tilespmem:s16], [sflag:$0x3], $0x80, s31, s14, $0xb8;
	[tilespmem:$0x1D000] =	vst v63  }
0x30: {  	_ =	swait.ge [sflag:s9], $0x2000  }
0x31: {  	[sflag:s9] =	ssyncset.done $0x0  }
0x32: {  	s22 =	simm.s32 $0xC0;
	s21 =	simm.s32 $0x200;
	[sflag:s9] =	ssyncadd.s32 $0xFFFFE000  }
.LBB2_2:
0x33: {  	[tilespmem:s16], [sflag:$0x2] =	stream.indirect.gather [hbm4b:s4+s14], $0x80, s22, s14, $0xb8;
	[tilespmem:$0x1D000] =	vst v63  }
0x34: {  	s22 =	smov.u32 s21  }
0x35: {  	p0 =	sne.s32 s21, $0x9E00;
	s21 =	sadd.s32 $0x200, s21;
	_ =	swait.ge [sflag:s17], $0x2000  }
0x36: {  	s22 =	sshra.s32 s22, $0x2;
	[sflag:s17] =	ssyncset.done $0x0  }
0x37: {  	s23 =	sadd.s32 $0x2C00, s22;
	[sflag:s17] =	ssyncadd.s32 $0xFFFFE000  }
0x38: {  	[spmem:s2] =	stream.indirect.scatter.add.f32 [tilespmem:s15], [sflag:$0x3], $0x80, s23, s14, $0xb8;
	[tilespmem:$0x1D000] =	vst v63  }
0x39: {  	_ =	swait.ge [sflag:s9], $0x2000  }
0x3a: {  	[sflag:s9] =	ssyncset.done $0x0  }
0x3b: {  	s23 =	sadd.s32 $0x80, s22;
	[sflag:s9] =	ssyncadd.s32 $0xFFFFE000  }
0x3c: {  	[tilespmem:s15], [sflag:$0x1] =	stream.indirect.gather [hbm4b:s4+s14], $0x80, s23, s14, $0xb8;
	[tilespmem:$0x1D000] =	vst v63  }
0x3d: {  	_ =	swait.ge [sflag:s18], $0x2000  }
0x3e: {  	[sflag:s18] =	ssyncset.done $0x0  }
.Ltmp0:
0x3f: {  	s23 =	sadd.s32 $0x2C40, s22;
	[sflag:s18] =	ssyncadd.s32 $0xFFFFE000;
	(pc) =	sbr.rel @p0 .LBB2_2-.Ltmp0, $4  }
0x40: {  	[spmem:s2] =	stream.indirect.scatter.add.f32 [tilespmem:s16], [sflag:$0x3], $0x80, s23, s14, $0xb8;
	[tilespmem:$0x1D000] =	vst v63  }
0x41: {  	_ =	swait.ge [sflag:s9], $0x2000  }
0x42: {  	[sflag:s9] =	ssyncset.done $0x0  }
0x43: {  	s22 =	sadd.s32 $0xC0, s22;
	[sflag:s9] =	ssyncadd.s32 $0xFFFFE000  }
0x44: {  	[tilespmem:s16], [sflag:$0x2] =	stream.indirect.gather [hbm4b:s4+s14], $0x80, s22, s14, $0xb8;
	[tilespmem:$0x1D000] =	vst v63  }
0x45: {  	_ =	swait.ge [sflag:s17], $0x2000  }
0x46: {  	[sflag:s17] =	ssyncset.done $0x0  }
0x47: {  	[sflag:s17] =	ssyncadd.s32 $0xFFFFE000  }
0x48: {  	_ =	swait.ge [sflag:s18], $0x2000  }
0x49: {  	s20 =	sadd.s32 $0x1, s20;
	[sflag:s18] =	ssyncset.done $0x0  }
0x4a: {  	p0 =	sne.s32 s20, s8;
	[sflag:s18] =	ssyncadd.s32 $0xFFFFE000  }
.Ltmp1:
0x4b: {  	[bflag:$0x0] =	sbarrier.arrive $0xFFFF;
	(pc) =	sbr.rel @p0 .LBB2_1-.Ltmp1, $4  }
0x4c: {  	[hbm:s19], [sflag:s12] =	dma.local [spmem:s13], $0x2780  }
0x4d: {  	_ =	swait.ge [sflag:s9], $0x2780  }
0x4e: {  	[sflag:s9] =	ssyncset.done $0x0  }
0x4f: {  	[sflag:s9] =	ssyncadd.s32 $0xFFFFD880  }
0x50: {  	_ =	sfence.sel $0x180000  }
0x51: {  	[bflag:$0x0] =	sbarrier.arrive $0xFFFF  }
0x52: {  	p0 =	sne.s32 s0, $0x0;
	_ =	strace $0x9000004A  }
0x53: {  	s0 =	sadd.s32 @!p0 $0x100000, s1;
	[bflag:$0x2] =	sbarrier.arrive $0xFFFF  }
0x54: {  	[sflag:s0] =	ssyncadd.tile.s32 @!p0 $0x1;
	_ =	shalt  }
.Lfunc_end2:
_tile_overlayer_lowered:
.L_overlay_start_2:
0x55: {  	(tag) =	ssettag $0x2  }
0x56: {  	s0 =	rddreg [dreg:$0x0];
	s2 =	stileid.u32  }
0x57: {  	s1 =	rddreg [dreg:$0x1];
	p0 =	sne.s32 s2, $0x0  }
0x58: {  	s3 =	rddreg [dreg:$0x2];
	[bflag:$0x3] =	sbarrier.arrive $0xFFFF;
	s2 =	simm.s32 @!p0 $0x1C03  }
0x59: {  	[timem:s3], [sflag:s2] =	dma.local @!p0 [hbm:s0], s1  }
0x5a: {  	s0 =	simm.s32 @!p0 $0x3  }
0x5b: {  	_ =	swait.ge @!p0 [sflag:s0], s1  }
0x5c: {  	s1 =	ssub.s32 @!p0 $0x0, s1;
	[sflag:s0] =	ssyncset.done @!p0 $0x0  }
0x5d: {  	[sflag:s0] =	ssyncadd.s32 @!p0 s1  }
0x5e: {  	[bflag:$0x3] =	sbarrier.arrive $0xFFFF  }
0x5f: {  	_ =	shalt  }

// kernel: kernel.14.cloned.1.call-start
scs
__scs_entry_jumppad:
0x0: {  	(pc) =	sbr.rel $0x88, $3  }
0x1: {  	(tag) =	ssettag $0x0;
	lr =	simm.s32 $0x1  }
0x2: {  	[smem:$0x3F9B] =	sst lr;
	_ =	strace $0xD0000000  }
0x3: {  	_ = 	snop  }
0x4: {  	_ = 	snop  }
0x5: {  	_ = 	snop  }
0x6: {  	_ = 	snop  }
0x7: {  	_ = 	snop  }
__scs_overlays_trampoline_lowered:
0x8: {  	[smem:$0x3FAA] =	sst s0  }
0x9: {  	[smem:$0x3FAB] =	sst s1  }
0xa: {  	[smem:$0x3FAC] =	sst s2  }
0xb: {  	[smem:$0x3FAD] =	sst s3  }
0xc: {  	[smem:$0x3FAE] =	sst s4  }
0xd: {  	[smem:$0x3FAF] =	sst s5  }
0xe: {  	[smem:$0x3FB0] =	sst s6  }
0xf: {  	[smem:$0x3FB1] =	sst s7  }
0x10: {  	[smem:$0x3FB2] =	sst s8  }
0x11: {  	[smem:$0x3FB3] =	sst s9;
	s0 =	simm.s32 @!p0 $0x0  }
0x12: {  	s1 =	sld [smem:$0x3F99];
	s0 =	simm.s32 @p0 $0x1  }
0x13: {  	[smem:$0x3FB4] =	sst s0;
	s0 =	simm.s32 @!p1 $0x0  }
0x14: {  	s2 =	sld [smem:$0x3F98];
	s0 =	simm.s32 @p1 $0x1  }
0x15: {  	[smem:$0x3FB5] =	sst s0;
	s0 =	simm.s32 @!p2 $0x0  }
0x16: {  	s3 =	sld [smem:$0x3FDB];
	s0 =	simm.s32 @p2 $0x1  }
0x17: {  	s4 =	simm.s32 $0x1BF5;
	[smem:$0x3FB7] =	sst s0  }
0x18: {  	s0 =	sld [smem:$0x3F9A];
	_ =	swait.ge [sflag:s4], $0x0  }
0x19: {  	s7 =	sld [smem:$0x3F9B]  }
0x1a: {  	s8 =	sadd.s32 $0xFFFFE003, lr  }
0x1b: {  	s9 =	sadd.s32 $0xFFFFFEF7, lr;
	s5 =	simm.s32 $0xFFFFFFFF;
	p2 =	slt.u32 s8, $0xFFFFF086  }
0x1c: {  	p1 =	slt.u32 s9, $0xF7A;
	s5 =	simm.s32 @!p2 $0x0  }
0x1d: {  	s5 =	simm.s32 @p1 $0x1;
	p0 =	seq.s32 s7, s2  }
0x1e: {  	s7 =	smul.u32 @!p0 $0xF7A, s2;
	p2 =	seq.s32 @!p0 s5, $0x0  }
0x1f: {  	s9 =	smul.u32 $0xF7A, s1;
	s8 =	simm.s32 @!p0 $0x1BF5;
	p2 =	por !p2, p0  }
0x20: {  	[sflag:s8] =	ssyncset.s32 @!p0 $0xFFFFF086;
	s6 =	sadd.s32 @!p0 s3, s7;
	s7 =	simm.s32 @!p0 $0x108  }
0x21: {  	s3 =	sadd.s32 s3, s9;
	s6 =	sadd.s32 @!p0 $0x88, s6;
	s7 =	simm.s32 @p2 $0x1082  }
0x22: {  	[simem:s7], [sflag:s8] =	dma.local @!p0 [hbm:s6], $0xF7A  }
0x23: {  	s9 =	sor.u32 $0xD0000000, s2;
	s6 =	simm.s32 $0x108;
	_ =	swait.ge @!p0 [sflag:s8], $0x0  }
0x24: {  	s3 =	sadd.s32 $0x88, s3;
	s6 =	simm.s32 @!p1 $0x1082;
	[sflag:s4] =	ssyncset.s32 $0xFFFFF086  }
0x25: {  	[simem:s6], [sflag:s4] =	dma.local [hbm:s3], $0xF7A  }
0x26: {  	[smem:$0x3F9B] =	sst s1;
	(tag) =	ssettag s2;
	_ =	strace s9  }
0x27: {  	s1 =	sld [smem:$0x3FAB]  }
0x28: {  	s2 =	sld [smem:$0x3FAC]  }
0x29: {  	s4 =	sld [smem:$0x3FAE]  }
0x2a: {  	p0 =	seq.s32 s5, $0x0;
	s5 =	sld [smem:$0x3FAF]  }
0x2b: {  	s6 =	sld [smem:$0x3FB0]  }
0x2c: {  	s7 =	sld [smem:$0x3FB1]  }
0x2d: {  	s3 =	simm.s32 $0x108;
	s8 =	sld [smem:$0x3FB2]  }
0x2e: {  	s3 =	simm.s32 @!p0 $0x1082;
	s9 =	sld [smem:$0x3FB3]  }
0x2f: {  	lr =	sadd.s32 s0, s3;
	s0 =	sld [smem:$0x3FAA]  }
0x30: {  	s3 =	sld [smem:$0x3FAD]  }
0x31: {  	[smem:$0x3FB6] =	sst s10  }
0x32: {  	s10 =	sld [smem:$0x3FB4];
	_ =	sdelay $0x3  }
0x33: {  	p0 =	seq.s32 s10, $0x1;
	s10 =	sld [smem:$0x3FB6];
	_ =	sdelay $0x3  }
0x34: {  	[smem:$0x3FB6] =	sst s10  }
0x35: {  	s10 =	sld [smem:$0x3FB5];
	_ =	sdelay $0x3  }
0x36: {  	p1 =	seq.s32 s10, $0x1;
	s10 =	sld [smem:$0x3FB6];
	_ =	sdelay $0x3  }
0x37: {  	[smem:$0x3FB6] =	sst s10  }
0x38: {  	s10 =	sld [smem:$0x3FB7]  }
0x39: {  	_ = 	snop;
	(pc) =	sbr.ind lr, $3  }
0x3a: {  	_ = 	snop  }
0x3b: {  	_ = 	snop  }
0x3c: {  	p2 =	seq.s32 s10, $0x1;
	s10 =	sld [smem:$0x3FB6]  }
0x3d: {  	_ =	shalt  }
0x3e: {  	_ =	shalt  }
0x3f: {  	_ =	shalt  }
0x40: {  	_ =	shalt  }
0x41: {  	_ =	shalt  }
0x42: {  	_ =	shalt  }
0x43: {  	_ =	shalt  }
0x44: {  	_ =	shalt  }
0x45: {  	_ =	shalt  }
0x46: {  	_ =	shalt  }
0x47: {  	_ =	shalt  }
0x48: {  	_ =	shalt  }
0x49: {  	_ =	shalt  }
0x4a: {  	_ =	shalt  }
0x4b: {  	_ =	shalt  }
0x4c: {  	_ =	shalt  }
0x4d: {  	_ =	shalt  }
0x4e: {  	_ =	shalt  }
0x4f: {  	_ =	shalt  }
0x50: {  	_ =	shalt  }
0x51: {  	_ =	shalt  }
0x52: {  	_ =	shalt  }
0x53: {  	_ =	shalt  }
0x54: {  	_ =	shalt  }
0x55: {  	_ =	shalt  }
0x56: {  	_ =	shalt  }
0x57: {  	_ =	shalt  }
0x58: {  	_ =	shalt  }
0x59: {  	_ =	shalt  }
0x5a: {  	_ =	shalt  }
0x5b: {  	_ =	shalt  }
0x5c: {  	_ =	shalt  }
0x5d: {  	_ =	shalt  }
0x5e: {  	_ =	shalt  }
0x5f: {  	_ =	shalt  }
0x60: {  	_ =	shalt  }
0x61: {  	_ =	shalt  }
0x62: {  	_ =	shalt  }
0x63: {  	_ =	shalt  }
0x64: {  	_ =	shalt  }
0x65: {  	_ =	shalt  }
0x66: {  	_ =	shalt  }
0x67: {  	_ =	shalt  }
0x68: {  	_ =	shalt  }
0x69: {  	_ =	shalt  }
0x6a: {  	_ =	shalt  }
0x6b: {  	_ =	shalt  }
0x6c: {  	_ =	shalt  }
0x6d: {  	_ =	shalt  }
0x6e: {  	_ =	shalt  }
0x6f: {  	_ =	shalt  }
0x70: {  	_ =	shalt  }
0x71: {  	_ =	shalt  }
0x72: {  	_ =	shalt  }
0x73: {  	_ =	shalt  }
0x74: {  	_ =	shalt  }
0x75: {  	_ =	shalt  }
0x76: {  	_ =	shalt  }
0x77: {  	_ =	shalt  }
0x78: {  	_ =	shalt  }
0x79: {  	_ =	shalt  }
0x7a: {  	_ =	shalt  }
0x7b: {  	_ =	shalt  }
0x7c: {  	_ =	shalt  }
0x7d: {  	_ =	shalt  }
0x7e: {  	_ =	shalt  }
0x7f: {  	_ =	shalt  }
0x80: {  	_ =	shalt  }
0x81: {  	_ =	shalt  }
0x82: {  	_ =	shalt  }
0x83: {  	_ =	shalt  }
0x84: {  	_ =	shalt  }
0x85: {  	_ =	shalt  }
0x86: {  	_ =	shalt  }
0x87: {  	_ =	shalt  }
.Lfunc_end0:
.L_simem_size_0:
called_computation.2_lowered:
.L_overlay_start_0:
0x88: {  	s2 =	sld [smem:$0x3FD9]  }
0x89: {  	s3 =	sld [smem:$0x3FFE];
	_ =	sdelay $0x1  }
0x8a: {  	s1 =	srdreg.scid  }
0x8b: {  	s0 =	sand.u32 $0x1, s1  }
0x8c: {  	s17 =	sshll.u32 s0, $0xA;
	s2 =	sadd.s32 s3, s2  }
0x8d: {  	s2 =	sadd.s32 s2, s17  }
0x8e: {  	[smem:$0x3FC2] =	sst s2  }
0x8f: {  	_ = 	snop  }
0x90: {  	s2 =	sld [smem:$0x3FD0];
	(tm) =	ssettm $0x1  }
0x91: {  	s18 =	sld [smem:$0x3FFB];
	_ =	sdelay $0x3  }
0x92: {  	_ =	strace s18  }
0x93: {  	s3 =	sld [smem:$0x3FFC];
	_ =	sdelay $0x3  }
0x94: {  	_ =	strace s3  }
0x95: {  	s3 =	sld [smem:$0x3FFD];
	_ =	sdelay $0x3  }
0x96: {  	_ =	strace s3  }
0x97: {  	_ =	strace $0x8FFFFFFF  }
0x98: {  	s19 =	sld [smem:$0x3FDB];
	_ =	sdelay $0x1  }
0x99: {  	s4 =	simm.s32 $_scs_section_size  }
0x9a: {  	s5 =	simm.s32 $_size__tile_overlayer_lowered;
	s6 =	simm.s32 $_tile_overlayer_lowered  }
0x9b: {  	s22 =	simm.s32 $0x1BFF;
	s21 =	sshll.u32 s6, $0x1;
	s3 =	sadd.s32 s4, s19  }
0x9c: {  	s7 =	simm.s32 $0x0;
	s20 =	sshll.u32 s5, $0x1;
	s5 =	sadd.s32 s21, s3  }
0x9d: {  	[timem:s7], [sflag:s22] =	dma.local [hbm:s5], s20  }
0x9e: {  	_ =	swait.ge [sflag:s22], s20  }
0x9f: {  	s4 =	ssub.s32 $0x0, s20;
	[sflag:s22] =	ssyncset.done $0x0  }
0xa0: {  	[sflag:s22] =	ssyncadd.s32 s4;
	_ =	sdelay $0x1  }
0xa1: {  	s23 =	simm.s32 $0x1B8B  }
0xa2: {  	_ =	swait.ge [sflag:s23], $0x1  }
0xa3: {  	[sflag:s23] =	ssyncset.done $0x0  }
0xa4: {  	s25 =	simm.s32 $0x1B8E;
	s24 =	sld [smem:$0x3FFE];
	[sflag:s23] =	ssyncadd.s32 $0xFFFFFFFF  }
0xa5: {  	s26 =	simm.s32 $execute0_lowered;
	[smem:$0x3FD2] =	sst s25  }
0xa6: {  	s5 =	sshll.u32 s26, $0x1;
	_ =	strace $0x8000004C;
	[dreg:$0x1] =	wrdreg $0xFFFFFFFF  }
0xa7: {  	s28 =	simm.s32 $_size_execute0_lowered;
	s3 =	sadd.s32 s3, s5;
	[dreg:$0x0] =	wrdreg $0x0  }
0xa8: {  	s5 =	sshll.u32 s28, $0x1;
	[dreg:$0x2] =	wrdreg s3  }
0xa9: {  	[dreg:$0x3] =	wrdreg s5  }
0xaa: {  	[dreg:$0x4] =	wrdreg $0xC0  }
0xab: {  	_ =	task [dreg:s7], $0x5FFFF  }
0xac: {  	[dreg:$0x1] =	wrdreg $0xFFFFFFFF  }
0xad: {  	[dreg:$0x0] =	wrdreg $0x60  }
0xae: {  	[dreg:$0x2] =	wrdreg s24  }
0xaf: {  	[dreg:$0x3] =	wrdreg s2  }
0xb0: {  	[dreg:$0x4] =	wrdreg $0x94000  }
0xb1: {  	[dreg:$0x5] =	wrdreg $0x9  }
0xb2: {  	_ =	task.clear_ibuf [dreg:s7], $0x6FFFF;
	_ =	strace $0x9000004C  }
0xb3: {  	s29 =	simm.s32 $0x9;
	_ =	strace $0x8000004E  }
0xb4: {  	_ =	swait.ge [sflag:s29], $0x1  }
0xb5: {  	[sflag:s29] =	ssyncadd.s32 $0xFFFFFFFF  }
0xb6: {  	_ =	strace $0x9000004E  }
0xb7: {  	_ =	sfence  }
0xb8: {  	s30 =	sld [smem:$0x0];
	_ =	sdelay $0x2  }
0xb9: {  	s31 =	sshll.u32 s1, $0xD;
	s1 =	sshrl.u32 s1, $0x2  }
0xba: {  	s3 =	sand.u32 $0x4000, s31;
	s1 =	sadd.s32 s1, s30  }
0xbb: {  	s0 =	sor.u32 s3, s0;
	s1 =	sshll.u32 s1, $0x11  }
0xbc: {  	s0 =	sor.u32 s1, s0  }
0xbd: {  	s0 =	sadd.s32 $0x8F2B, s0  }
0xbe: {  	[sflag:s0] =	ssyncadd.remote.s32 $0x1  }
0xbf: {  	_ =	sfence.sel $0xFFFF  }
0xc0: {  	[dreg:$0x0] =	wrdreg $0xFFFFFFFF;
	(pc) =	sbr.abs _section_cstart, $3  }
0xc1: {  	[dreg:$0x1] =	wrdreg $0xFFFFFFFF  }
0xc2: {  	_ =	task.clear_ibuf [dreg:s7], $0x2FFFF;
	_ =	strace $0x9FFFFFFF  }
0xc3: {  	(tm) =	ssettm $0x7FFFFFFF  }
tec
execute0_lowered:
.L_overlay_start_1:
0x0: {  	(tag) =	ssettag $0x1  }
0x1: {  	s5 =	rddreg [dreg:$0x0];
	s1 =	srdreg.scid  }
0x2: {  	s0 =	stileid.u32;
	s6 =	rddreg [dreg:$0x1]  }
0x3: {  	s2 =	rddreg [dreg:$0x2];
	s3 =	simm.s32 $0x0;
	s15 =	simm.s32 $0x5400  }
0x4: {  	s16 =	simm.s32 $0x7400;
	s17 =	simm.s32 $0x1;
	s18 =	simm.s32 $0x2  }
0x5: {  	s7 =	sand.u32 $0x1, s1;
	s1 =	rddreg [dreg:$0x3];
	s19 =	smul.u32 $0x2780, s0  }
0x6: {  	s28 =	sshll.u32 s0, $0x1;
	[smem:$0x7FF] =	sst s3;
	s11 =	smul.u32 $0x4F000, s0  }
0x7: {  	s31 =	sshll.u32 s0, $0x6;
	s4 =	sor.u32 s7, s28;
	s9 =	smul.u32 $0x27800, s7  }
0x8: {  	_ =	strace $0x8000004D;
	s7 =	ssub.s32 $0x2, s7;
	s8 =	smul.u32 $0x500, s4  }
0x9: {  	s4 =	sadd.s32 $0x83A00, s5;
	s12 =	sadd.s32 s19, s5;
	s29 =	sshrl.u32 s7, $0x1  }
0xa: {  	s30 =	sshrl.u32 s11, $0x2;
	s11 =	simm.s32 $0x2C00;
	s9 =	sadd.s32 s9, s5  }
0xb: {  	s13 =	ssub.s32 s7, s29;
	s14 =	sadd.s32 s30, s2;
	s7 =	sadd.s32 $0xD200, s12  }
0xc: {  	s12 =	sor.u32 $0x1C03, s31;
	s10 =	sadd.s32 s8, s5;
	s5 =	sadd.s32 s6, s8  }
0xd: {  	s20 =	sadd.s32 $0xAAC00, s9;
	s8 =	smax.u32 s13, $0x1;
	s9 =	simm.s32 $0x3  }
0xe: {  	s13 =	sshrl.u32 s14, $0x3;
	s14 =	simm.s32 $0x40;
	s6 =	sadd.s32 $0x2A00, s10  }
0xf: {  	s10 =	simm.s32 $0x2800;
	s19 =	sadd.s32 s19, s20;
	s20 =	simm.s32 $0x0  }
.LBB2_1:
0x10: {  	[tilespmem:s3], [sflag:$0x3] =	stream.linear.gather [hbm4b:s5+s3], $0x2800, $0x38;
	[tilespmem:$0x1D000] =	vst v63  }
0x11: {  	_ =	swait.ge [sflag:s9], $0x2800  }
0x12: {  	[sflag:s9] =	ssyncset.done $0x0  }
0x13: {  	[sflag:s9] =	ssyncadd.s32 $0xFFFFD800  }
0x14: {  	[tilespmem:s10], [sflag:$0x3] =	stream.linear.gather [hbm4b:s5+s3], $0x80, $0x38;
	[tilespmem:$0x1D000] =	vst v63  }
0x15: {  	_ =	swait.ge [sflag:s9], $0x80  }
0x16: {  	[sflag:s9] =	ssyncset.done $0x0  }
0x17: {  	[sflag:s9] =	ssyncadd.s32 $0xFFFFFF80  }
0x18: {  	[tilespmem:s11], [sflag:$0x3] =	stream.linear.gather [hbm4b:s6+s3], $0x2800, $0x38;
	[tilespmem:$0x1D000] =	vst v63  }
0x19: {  	_ =	swait.ge [sflag:s9], $0x2800  }
0x1a: {  	[sflag:s9] =	ssyncset.done $0x0  }
0x1b: {  	[sflag:s9] =	ssyncadd.s32 $0xFFFFD800  }
0x1c: {  	[spmem:s13], [sflag:s12] =	dma.local [hbm:s7], $0x2780  }
0x1d: {  	_ =	swait.ge [sflag:s9], $0x2780  }
0x1e: {  	[sflag:s9] =	ssyncset.done $0x0  }
0x1f: {  	[sflag:s9] =	ssyncadd.s32 $0xFFFFD880  }
0x20: {  	[bflag:$0x0] =	sbarrier.arrive $0xFFFF  }
0x21: {  	[tilespmem:s15], [sflag:$0x1] =	stream.indirect.gather [hbm4b:s4+s14], $0x80, s3, s14, $0xb8;
	[tilespmem:$0x1D000] =	vst v63  }
0x22: {  	_ = 	snop  }
0x23: {  	[tilespmem:s16], [sflag:$0x2] =	stream.indirect.gather [hbm4b:s4+s14], $0x80, s14, s14, $0xb8;
	[tilespmem:$0x1D000] =	vst v63  }
0x24: {  	_ =	swait.ge [sflag:s17], $0x2000  }
0x25: {  	[sflag:s17] =	ssyncset.done $0x0  }
0x26: {  	s21 =	simm.s32 $0x2C00;
	[sflag:s17] =	ssyncadd.s32 $0xFFFFE000  }
0x27: {  	[spmem:s2] =	stream.indirect.scatter.add.f32 [tilespmem:s15], [sflag:$0x3], $0x80, s21, s14, $0xb8;
	[tilespmem:$0x1D000] =	vst v63  }
0x28: {  	_ =	swait.ge [sflag:s9], $0x2000  }
0x29: {  	[sflag:s9] =	ssyncset.done $0x0  }
0x2a: {  	s30 =	simm.s32 $0x80;
	[sflag:s9] =	ssyncadd.s32 $0xFFFFE000  }
0x2b: {  	[tilespmem:s15], [sflag:$0x1] =	stream.indirect.gather [hbm4b:s4+s14], $0x80, s30, s14, $0xb8;
	[tilespmem:$0x1D000] =	vst v63  }
0x2c: {  	_ =	swait.ge [sflag:s18], $0x2000  }
0x2d: {  	[sflag:s18] =	ssyncset.done $0x0  }
0x2e: {  	s31 =	simm.s32 $0x2C40;
	[sflag:s18] =	ssyncadd.s32 $0xFFFFE000  }
0x2f: {  	[spmem:s2] =	stream.indirect.scatter.add.f32 [tilespmem:s16], [sflag:$0x3], $0x80, s31, s14, $0xb8;
	[tilespmem:$0x1D000] =	vst v63  }
0x30: {  	_ =	swait.ge [sflag:s9], $0x2000  }
0x31: {  	[sflag:s9] =	ssyncset.done $0x0  }
0x32: {  	s22 =	simm.s32 $0xC0;
	s21 =	simm.s32 $0x200;
	[sflag:s9] =	ssyncadd.s32 $0xFFFFE000  }
.LBB2_2:
0x33: {  	[tilespmem:s16], [sflag:$0x2] =	stream.indirect.gather [hbm4b:s4+s14], $0x80, s22, s14, $0xb8;
	[tilespmem:$0x1D000] =	vst v63  }
0x34: {  	s22 =	smov.u32 s21  }
0x35: {  	p0 =	sne.s32 s21, $0x9E00;
	s21 =	sadd.s32 $0x200, s21;
	_ =	swait.ge [sflag:s17], $0x2000  }
0x36: {  	s22 =	sshra.s32 s22, $0x2;
	[sflag:s17] =	ssyncset.done $0x0  }
0x37: {  	s23 =	sadd.s32 $0x2C00, s22;
	[sflag:s17] =	ssyncadd.s32 $0xFFFFE000  }
0x38: {  	[spmem:s2] =	stream.indirect.scatter.add.f32 [tilespmem:s15], [sflag:$0x3], $0x80, s23, s14, $0xb8;
	[tilespmem:$0x1D000] =	vst v63  }
0x39: {  	_ =	swait.ge [sflag:s9], $0x2000  }
0x3a: {  	[sflag:s9] =	ssyncset.done $0x0  }
0x3b: {  	s23 =	sadd.s32 $0x80, s22;
	[sflag:s9] =	ssyncadd.s32 $0xFFFFE000  }
0x3c: {  	[tilespmem:s15], [sflag:$0x1] =	stream.indirect.gather [hbm4b:s4+s14], $0x80, s23, s14, $0xb8;
	[tilespmem:$0x1D000] =	vst v63  }
0x3d: {  	_ =	swait.ge [sflag:s18], $0x2000  }
0x3e: {  	[sflag:s18] =	ssyncset.done $0x0  }
.Ltmp0:
0x3f: {  	s23 =	sadd.s32 $0x2C40, s22;
	[sflag:s18] =	ssyncadd.s32 $0xFFFFE000;
	(pc) =	sbr.rel @p0 .LBB2_2-.Ltmp0, $4  }
0x40: {  	[spmem:s2] =	stream.indirect.scatter.add.f32 [tilespmem:s16], [sflag:$0x3], $0x80, s23, s14, $0xb8;
	[tilespmem:$0x1D000] =	vst v63  }
0x41: {  	_ =	swait.ge [sflag:s9], $0x2000  }
0x42: {  	[sflag:s9] =	ssyncset.done $0x0  }
0x43: {  	s22 =	sadd.s32 $0xC0, s22;
	[sflag:s9] =	ssyncadd.s32 $0xFFFFE000  }
0x44: {  	[tilespmem:s16], [sflag:$0x2] =	stream.indirect.gather [hbm4b:s4+s14], $0x80, s22, s14, $0xb8;
	[tilespmem:$0x1D000] =	vst v63  }
0x45: {  	_ =	swait.ge [sflag:s17], $0x2000  }
0x46: {  	[sflag:s17] =	ssyncset.done $0x0  }
0x47: {  	[sflag:s17] =	ssyncadd.s32 $0xFFFFE000  }
0x48: {  	_ =	swait.ge [sflag:s18], $0x2000  }
0x49: {  	s20 =	sadd.s32 $0x1, s20;
	[sflag:s18] =	ssyncset.done $0x0  }
0x4a: {  	p0 =	sne.s32 s20, s8;
	[sflag:s18] =	ssyncadd.s32 $0xFFFFE000  }
.Ltmp1:
0x4b: {  	[bflag:$0x0] =	sbarrier.arrive $0xFFFF;
	(pc) =	sbr.rel @p0 .LBB2_1-.Ltmp1, $4  }
0x4c: {  	[hbm:s19], [sflag:s12] =	dma.local [spmem:s13], $0x2780  }
0x4d: {  	_ =	swait.ge [sflag:s9], $0x2780  }
0x4e: {  	[sflag:s9] =	ssyncset.done $0x0  }
0x4f: {  	[sflag:s9] =	ssyncadd.s32 $0xFFFFD880  }
0x50: {  	_ =	sfence.sel $0x180000  }
0x51: {  	[bflag:$0x0] =	sbarrier.arrive $0xFFFF  }
0x52: {  	p0 =	sne.s32 s0, $0x0;
	_ =	strace $0x9000004D  }
0x53: {  	s0 =	sadd.s32 @!p0 $0x100000, s1;
	[bflag:$0x2] =	sbarrier.arrive $0xFFFF  }
0x54: {  	[sflag:s0] =	ssyncadd.tile.s32 @!p0 $0x1;
	_ =	shalt  }
.Lfunc_end2:
_tile_overlayer_lowered:
.L_overlay_start_2:
0x55: {  	(tag) =	ssettag $0x2  }
0x56: {  	s0 =	rddreg [dreg:$0x0];
	s2 =	stileid.u32  }
0x57: {  	s1 =	rddreg [dreg:$0x1];
	p0 =	sne.s32 s2, $0x0  }
0x58: {  	s3 =	rddreg [dreg:$0x2];
	[bflag:$0x3] =	sbarrier.arrive $0xFFFF;
	s2 =	simm.s32 @!p0 $0x1C03  }
0x59: {  	[timem:s3], [sflag:s2] =	dma.local @!p0 [hbm:s0], s1  }
0x5a: {  	s0 =	simm.s32 @!p0 $0x3  }
0x5b: {  	_ =	swait.ge @!p0 [sflag:s0], s1  }
0x5c: {  	s1 =	ssub.s32 @!p0 $0x0, s1;
	[sflag:s0] =	ssyncset.done @!p0 $0x0  }
0x5d: {  	[sflag:s0] =	ssyncadd.s32 @!p0 s1  }
0x5e: {  	[bflag:$0x3] =	sbarrier.arrive $0xFFFF  }
0x5f: {  	_ =	shalt  }

// kernel: kernel.8.cloned.1.call-start
scs
__scs_entry_jumppad:
0x0: {  	(pc) =	sbr.rel $0x88, $3  }
0x1: {  	(tag) =	ssettag $0x0;
	lr =	simm.s32 $0x1  }
0x2: {  	[smem:$0x3F9B] =	sst lr;
	_ =	strace $0xD0000000  }
0x3: {  	_ = 	snop  }
0x4: {  	_ = 	snop  }
0x5: {  	_ = 	snop  }
0x6: {  	_ = 	snop  }
0x7: {  	_ = 	snop  }
__scs_overlays_trampoline_lowered:
0x8: {  	[smem:$0x3FAA] =	sst s0  }
0x9: {  	[smem:$0x3FAB] =	sst s1  }
0xa: {  	[smem:$0x3FAC] =	sst s2  }
0xb: {  	[smem:$0x3FAD] =	sst s3  }
0xc: {  	[smem:$0x3FAE] =	sst s4  }
0xd: {  	[smem:$0x3FAF] =	sst s5  }
0xe: {  	[smem:$0x3FB0] =	sst s6  }
0xf: {  	[smem:$0x3FB1] =	sst s7  }
0x10: {  	[smem:$0x3FB2] =	sst s8  }
0x11: {  	[smem:$0x3FB3] =	sst s9;
	s0 =	simm.s32 @!p0 $0x0  }
0x12: {  	s1 =	sld [smem:$0x3F99];
	s0 =	simm.s32 @p0 $0x1  }
0x13: {  	[smem:$0x3FB4] =	sst s0;
	s0 =	simm.s32 @!p1 $0x0  }
0x14: {  	s2 =	sld [smem:$0x3F98];
	s0 =	simm.s32 @p1 $0x1  }
0x15: {  	[smem:$0x3FB5] =	sst s0;
	s0 =	simm.s32 @!p2 $0x0  }
0x16: {  	s3 =	sld [smem:$0x3FDB];
	s0 =	simm.s32 @p2 $0x1  }
0x17: {  	s4 =	simm.s32 $0x1BF5;
	[smem:$0x3FB7] =	sst s0  }
0x18: {  	s0 =	sld [smem:$0x3F9A];
	_ =	swait.ge [sflag:s4], $0x0  }
0x19: {  	s7 =	sld [smem:$0x3F9B]  }
0x1a: {  	s8 =	sadd.s32 $0xFFFFE003, lr  }
0x1b: {  	s9 =	sadd.s32 $0xFFFFFEF7, lr;
	s5 =	simm.s32 $0xFFFFFFFF;
	p2 =	slt.u32 s8, $0xFFFFF086  }
0x1c: {  	p1 =	slt.u32 s9, $0xF7A;
	s5 =	simm.s32 @!p2 $0x0  }
0x1d: {  	s5 =	simm.s32 @p1 $0x1;
	p0 =	seq.s32 s7, s2  }
0x1e: {  	s7 =	smul.u32 @!p0 $0xF7A, s2;
	p2 =	seq.s32 @!p0 s5, $0x0  }
0x1f: {  	s9 =	smul.u32 $0xF7A, s1;
	s8 =	simm.s32 @!p0 $0x1BF5;
	p2 =	por !p2, p0  }
0x20: {  	[sflag:s8] =	ssyncset.s32 @!p0 $0xFFFFF086;
	s6 =	sadd.s32 @!p0 s3, s7;
	s7 =	simm.s32 @!p0 $0x108  }
0x21: {  	s3 =	sadd.s32 s3, s9;
	s6 =	sadd.s32 @!p0 $0x88, s6;
	s7 =	simm.s32 @p2 $0x1082  }
0x22: {  	[simem:s7], [sflag:s8] =	dma.local @!p0 [hbm:s6], $0xF7A  }
0x23: {  	s9 =	sor.u32 $0xD0000000, s2;
	s6 =	simm.s32 $0x108;
	_ =	swait.ge @!p0 [sflag:s8], $0x0  }
0x24: {  	s3 =	sadd.s32 $0x88, s3;
	s6 =	simm.s32 @!p1 $0x1082;
	[sflag:s4] =	ssyncset.s32 $0xFFFFF086  }
0x25: {  	[simem:s6], [sflag:s4] =	dma.local [hbm:s3], $0xF7A  }
0x26: {  	[smem:$0x3F9B] =	sst s1;
	(tag) =	ssettag s2;
	_ =	strace s9  }
0x27: {  	s1 =	sld [smem:$0x3FAB]  }
0x28: {  	s2 =	sld [smem:$0x3FAC]  }
0x29: {  	s4 =	sld [smem:$0x3FAE]  }
0x2a: {  	p0 =	seq.s32 s5, $0x0;
	s5 =	sld [smem:$0x3FAF]  }
0x2b: {  	s6 =	sld [smem:$0x3FB0]  }
0x2c: {  	s7 =	sld [smem:$0x3FB1]  }
0x2d: {  	s3 =	simm.s32 $0x108;
	s8 =	sld [smem:$0x3FB2]  }
0x2e: {  	s3 =	simm.s32 @!p0 $0x1082;
	s9 =	sld [smem:$0x3FB3]  }
0x2f: {  	lr =	sadd.s32 s0, s3;
	s0 =	sld [smem:$0x3FAA]  }
0x30: {  	s3 =	sld [smem:$0x3FAD]  }
0x31: {  	[smem:$0x3FB6] =	sst s10  }
0x32: {  	s10 =	sld [smem:$0x3FB4];
	_ =	sdelay $0x3  }
0x33: {  	p0 =	seq.s32 s10, $0x1;
	s10 =	sld [smem:$0x3FB6];
	_ =	sdelay $0x3  }
0x34: {  	[smem:$0x3FB6] =	sst s10  }
0x35: {  	s10 =	sld [smem:$0x3FB5];
	_ =	sdelay $0x3  }
0x36: {  	p1 =	seq.s32 s10, $0x1;
	s10 =	sld [smem:$0x3FB6];
	_ =	sdelay $0x3  }
0x37: {  	[smem:$0x3FB6] =	sst s10  }
0x38: {  	s10 =	sld [smem:$0x3FB7]  }
0x39: {  	_ = 	snop;
	(pc) =	sbr.ind lr, $3  }
0x3a: {  	_ = 	snop  }
0x3b: {  	_ = 	snop  }
0x3c: {  	p2 =	seq.s32 s10, $0x1;
	s10 =	sld [smem:$0x3FB6]  }
0x3d: {  	_ =	shalt  }
0x3e: {  	_ =	shalt  }
0x3f: {  	_ =	shalt  }
0x40: {  	_ =	shalt  }
0x41: {  	_ =	shalt  }
0x42: {  	_ =	shalt  }
0x43: {  	_ =	shalt  }
0x44: {  	_ =	shalt  }
0x45: {  	_ =	shalt  }
0x46: {  	_ =	shalt  }
0x47: {  	_ =	shalt  }
0x48: {  	_ =	shalt  }
0x49: {  	_ =	shalt  }
0x4a: {  	_ =	shalt  }
0x4b: {  	_ =	shalt  }
0x4c: {  	_ =	shalt  }
0x4d: {  	_ =	shalt  }
0x4e: {  	_ =	shalt  }
0x4f: {  	_ =	shalt  }
0x50: {  	_ =	shalt  }
0x51: {  	_ =	shalt  }
0x52: {  	_ =	shalt  }
0x53: {  	_ =	shalt  }
0x54: {  	_ =	shalt  }
0x55: {  	_ =	shalt  }
0x56: {  	_ =	shalt  }
0x57: {  	_ =	shalt  }
0x58: {  	_ =	shalt  }
0x59: {  	_ =	shalt  }
0x5a: {  	_ =	shalt  }
0x5b: {  	_ =	shalt  }
0x5c: {  	_ =	shalt  }
0x5d: {  	_ =	shalt  }
0x5e: {  	_ =	shalt  }
0x5f: {  	_ =	shalt  }
0x60: {  	_ =	shalt  }
0x61: {  	_ =	shalt  }
0x62: {  	_ =	shalt  }
0x63: {  	_ =	shalt  }
0x64: {  	_ =	shalt  }
0x65: {  	_ =	shalt  }
0x66: {  	_ =	shalt  }
0x67: {  	_ =	shalt  }
0x68: {  	_ =	shalt  }
0x69: {  	_ =	shalt  }
0x6a: {  	_ =	shalt  }
0x6b: {  	_ =	shalt  }
0x6c: {  	_ =	shalt  }
0x6d: {  	_ =	shalt  }
0x6e: {  	_ =	shalt  }
0x6f: {  	_ =	shalt  }
0x70: {  	_ =	shalt  }
0x71: {  	_ =	shalt  }
0x72: {  	_ =	shalt  }
0x73: {  	_ =	shalt  }
0x74: {  	_ =	shalt  }
0x75: {  	_ =	shalt  }
0x76: {  	_ =	shalt  }
0x77: {  	_ =	shalt  }
0x78: {  	_ =	shalt  }
0x79: {  	_ =	shalt  }
0x7a: {  	_ =	shalt  }
0x7b: {  	_ =	shalt  }
0x7c: {  	_ =	shalt  }
0x7d: {  	_ =	shalt  }
0x7e: {  	_ =	shalt  }
0x7f: {  	_ =	shalt  }
0x80: {  	_ =	shalt  }
0x81: {  	_ =	shalt  }
0x82: {  	_ =	shalt  }
0x83: {  	_ =	shalt  }
0x84: {  	_ =	shalt  }
0x85: {  	_ =	shalt  }
0x86: {  	_ =	shalt  }
0x87: {  	_ =	shalt  }
.Lfunc_end0:
.L_simem_size_0:
called_computation_lowered:
.L_overlay_start_0:
0x88: {  	s2 =	sld [smem:$0x3FD9]  }
0x89: {  	s3 =	sld [smem:$0x3FFE];
	_ =	sdelay $0x1  }
0x8a: {  	s1 =	srdreg.scid  }
0x8b: {  	s0 =	sand.u32 $0x1, s1  }
0x8c: {  	s16 =	sshll.u32 s0, $0xA;
	s2 =	sadd.s32 s3, s2  }
0x8d: {  	s2 =	sadd.s32 s2, s16  }
0x8e: {  	[smem:$0x3FC2] =	sst s2  }
0x8f: {  	_ = 	snop  }
0x90: {  	(tm) =	ssettm $0x1  }
0x91: {  	s17 =	sld [smem:$0x3FFB];
	_ =	sdelay $0x3  }
0x92: {  	_ =	strace s17  }
0x93: {  	s2 =	sld [smem:$0x3FFC];
	_ =	sdelay $0x3  }
0x94: {  	_ =	strace s2  }
0x95: {  	s2 =	sld [smem:$0x3FFD];
	_ =	sdelay $0x3  }
0x96: {  	_ =	strace s2  }
0x97: {  	_ =	strace $0x8FFFFFFF  }
0x98: {  	s18 =	sld [smem:$0x3FDB];
	_ =	sdelay $0x1  }
0x99: {  	s19 =	simm.s32 $_scs_section_size  }
0x9a: {  	s4 =	simm.s32 $_size__tile_overlayer_lowered;
	s5 =	simm.s32 $_tile_overlayer_lowered  }
0x9b: {  	s22 =	simm.s32 $0x1BFF;
	s21 =	sshll.u32 s5, $0x1;
	s2 =	sadd.s32 s19, s18  }
0x9c: {  	s6 =	simm.s32 $0x0;
	s20 =	sshll.u32 s4, $0x1;
	s4 =	sadd.s32 s21, s2  }
0x9d: {  	[timem:s6], [sflag:s22] =	dma.local [hbm:s4], s20  }
0x9e: {  	_ =	swait.ge [sflag:s22], s20  }
0x9f: {  	s3 =	ssub.s32 $0x0, s20;
	[sflag:s22] =	ssyncset.done $0x0  }
0xa0: {  	[sflag:s22] =	ssyncadd.s32 s3;
	_ =	sdelay $0x1  }
0xa1: {  	s23 =	simm.s32 $0x1B8B  }
0xa2: {  	_ =	swait.ge [sflag:s23], $0x1  }
0xa3: {  	[sflag:s23] =	ssyncset.done $0x0  }
0xa4: {  	s25 =	simm.s32 $0x1B8E;
	s24 =	sld [smem:$0x3FFE];
	[sflag:s23] =	ssyncadd.s32 $0xFFFFFFFF  }
0xa5: {  	s26 =	simm.s32 $execute0_lowered;
	[smem:$0x3FD2] =	sst s25  }
0xa6: {  	s4 =	sshll.u32 s26, $0x1;
	_ =	strace $0x80000046;
	[dreg:$0x1] =	wrdreg $0xFFFFFFFF  }
0xa7: {  	s28 =	simm.s32 $_size_execute0_lowered;
	s2 =	sadd.s32 s2, s4;
	[dreg:$0x0] =	wrdreg $0x0  }
0xa8: {  	s4 =	sshll.u32 s28, $0x1;
	[dreg:$0x2] =	wrdreg s2  }
0xa9: {  	[dreg:$0x3] =	wrdreg s4  }
0xaa: {  	[dreg:$0x4] =	wrdreg $0xC0  }
0xab: {  	_ =	task [dreg:s6], $0x5FFFF  }
0xac: {  	[dreg:$0x1] =	wrdreg $0xFFFFFFFF  }
0xad: {  	[dreg:$0x0] =	wrdreg $0x60  }
0xae: {  	[dreg:$0x2] =	wrdreg s24  }
0xaf: {  	[dreg:$0x3] =	wrdreg $0x68000  }
0xb0: {  	[dreg:$0x4] =	wrdreg $0x9  }
0xb1: {  	_ =	task.clear_ibuf [dreg:s6], $0x5FFFF;
	_ =	strace $0x90000046  }
0xb2: {  	s29 =	simm.s32 $0x9;
	_ =	strace $0x80000048  }
0xb3: {  	_ =	swait.ge [sflag:s29], $0x1  }
0xb4: {  	[sflag:s29] =	ssyncadd.s32 $0xFFFFFFFF  }
0xb5: {  	_ =	strace $0x90000048  }
0xb6: {  	_ =	sfence  }
0xb7: {  	s30 =	sld [smem:$0x0];
	_ =	sdelay $0x2  }
0xb8: {  	s31 =	sshll.u32 s1, $0xD;
	s1 =	sshrl.u32 s1, $0x2  }
0xb9: {  	s3 =	sand.u32 $0x4000, s31;
	s1 =	sadd.s32 s1, s30  }
0xba: {  	s0 =	sor.u32 s3, s0;
	s1 =	sshll.u32 s1, $0x11  }
0xbb: {  	s0 =	sor.u32 s1, s0  }
0xbc: {  	s0 =	sadd.s32 $0x8F2B, s0  }
0xbd: {  	[sflag:s0] =	ssyncadd.remote.s32 $0x1  }
0xbe: {  	_ =	sfence.sel $0xFFFF  }
0xbf: {  	[dreg:$0x0] =	wrdreg $0xFFFFFFFF;
	(pc) =	sbr.abs _section_cstart, $3  }
0xc0: {  	[dreg:$0x1] =	wrdreg $0xFFFFFFFF  }
0xc1: {  	_ =	task.clear_ibuf [dreg:s6], $0x2FFFF;
	_ =	strace $0x9FFFFFFF  }
0xc2: {  	(tm) =	ssettm $0x7FFFFFFF  }
0xc3: {  	_ =	shalt  }
tec
execute0_lowered:
.L_overlay_start_1:
0x0: {  	(tag) =	ssettag $0x1  }
0x1: {  	s1 =	srdreg.scid  }
0x2: {  	s0 =	stileid.u32;
	s5 =	rddreg [dreg:$0x0]  }
0x3: {  	s2 =	rddreg [dreg:$0x1];
	s3 =	simm.s32 $0x0;
	s6 =	sand.u32 $0x1, s1  }
0x4: {  	s28 =	sshll.u32 s0, $0x1;
	s1 =	rddreg [dreg:$0x2];
	s13 =	smul.u32 $0x2780, s0  }
0x5: {  	[smem:$0x7FF] =	sst s3;
	s9 =	smul.u32 $0x4F000, s0;
	s31 =	sshll.u32 s0, $0x6  }
0x6: {  	s4 =	sor.u32 s6, s28;
	_ =	strace $0x80000047;
	s8 =	smul.u32 $0x27800, s6  }
0x7: {  	s6 =	ssub.s32 $0x2, s6;
	s4 =	smul.u32 $0x500, s4;
	s10 =	sadd.s32 s13, s5  }
0x8: {  	s29 =	sshrl.u32 s6, $0x1;
	s30 =	sshrl.u32 s9, $0x2;
	s9 =	simm.s32 $0x2800  }
0x9: {  	s8 =	sadd.s32 s8, s5;
	s11 =	ssub.s32 s6, s29;
	s12 =	sadd.s32 s30, s2  }
0xa: {  	s6 =	sadd.s32 $0xD200, s10;
	s10 =	sor.u32 $0x1C01, s31;
	s7 =	sadd.s32 s4, s5  }
0xb: {  	s4 =	sadd.s32 $0xCA00, s5;
	s14 =	sadd.s32 $0x34A00, s8;
	s8 =	simm.s32 $0x1  }
0xc: {  	s5 =	sadd.s32 $0x2A00, s7;
	s7 =	smax.u32 s11, $0x1;
	s11 =	sshrl.u32 s12, $0x3  }
0xd: {  	s12 =	simm.s32 $0x80;
	s13 =	sadd.s32 s13, s14;
	s14 =	simm.s32 $0x0  }
.LBB2_1:
0xe: {  	[tilespmem:s3], [sflag:$0x1] =	stream.linear.gather [hbm4b:s5+s3], $0x2800, $0x38;
	[tilespmem:$0x1A400] =	vst v63  }
0xf: {  	_ =	swait.ge [sflag:s8], $0x2800  }
0x10: {  	[sflag:s8] =	ssyncset.done $0x0  }
0x11: {  	[sflag:s8] =	ssyncadd.s32 $0xFFFFD800  }
0x12: {  	[tilespmem:s9], [sflag:$0x1] =	stream.linear.gather [hbm4b:s4+s3], $0x4000, $0x38;
	[tilespmem:$0x1A400] =	vst v63  }
0x13: {  	_ =	swait.ge [sflag:s8], $0x4000  }
0x14: {  	[sflag:s8] =	ssyncset.done $0x0  }
0x15: {  	[sflag:s8] =	ssyncadd.s32 $0xFFFFC000  }
0x16: {  	[spmem:s11], [sflag:s10] =	dma.local [hbm:s6], $0x2780  }
0x17: {  	_ =	swait.ge [sflag:s8], $0x2780  }
0x18: {  	[sflag:s8] =	ssyncset.done $0x0  }
0x19: {  	[sflag:s8] =	ssyncadd.s32 $0xFFFFD880  }
0x1a: {  	s15 =	simm.s32 $0x0;
	[bflag:$0x0] =	sbarrier.arrive $0xFFFF  }
0x1b: {  	[spmem:s2] =	stream.indirect.scatter.add.f32 [tilespmem:s9], [sflag:$0x1], $0x80, s15, s12, $0xb8;
	[tilespmem:$0x1A400] =	vst v63  }
0x1c: {  	_ =	swait.ge [sflag:s8], $0x4000  }
0x1d: {  	s15 =	simm.s32 $0x200;
	[sflag:s8] =	ssyncset.done $0x0  }
.LBB2_2:
0x1e: {  	s16 =	sshra.s32 s15, $0x2;
	[sflag:s8] =	ssyncadd.s32 $0xFFFFC000;
	p0 =	sne.s32 s15, $0x9E00  }
0x1f: {  	[spmem:s2] =	stream.indirect.scatter.add.f32 [tilespmem:s9], [sflag:$0x1], $0x80, s16, s12, $0xb8;
	[tilespmem:$0x1A400] =	vst v63  }
.Ltmp0:
0x20: {  	_ = 	snop;
	(pc) =	sbr.rel @p0 .LBB2_2-.Ltmp0, $4  }
0x21: {  	_ = 	snop  }
0x22: {  	s15 =	sadd.s32 $0x200, s15  }
0x23: {  	_ =	swait.ge [sflag:s8], $0x4000  }
0x24: {  	[sflag:s8] =	ssyncset.done $0x0  }
0x25: {  	s14 =	sadd.s32 $0x1, s14  }
0x26: {  	[sflag:s8] =	ssyncadd.s32 $0xFFFFC000;
	p0 =	sne.s32 s14, s7  }
.Ltmp1:
0x27: {  	[bflag:$0x0] =	sbarrier.arrive $0xFFFF;
	(pc) =	sbr.rel @p0 .LBB2_1-.Ltmp1, $4  }
0x28: {  	[hbm:s13], [sflag:s10] =	dma.local [spmem:s11], $0x2780  }
0x29: {  	_ =	swait.ge [sflag:s8], $0x2780  }
0x2a: {  	[sflag:s8] =	ssyncset.done $0x0  }
0x2b: {  	[sflag:s8] =	ssyncadd.s32 $0xFFFFD880  }
0x2c: {  	_ =	sfence.sel $0x180000  }
0x2d: {  	[bflag:$0x0] =	sbarrier.arrive $0xFFFF  }
0x2e: {  	p0 =	sne.s32 s0, $0x0;
	_ =	strace $0x90000047  }
0x2f: {  	s0 =	sadd.s32 @!p0 $0x100000, s1;
	[bflag:$0x2] =	sbarrier.arrive $0xFFFF  }
0x30: {  	[sflag:s0] =	ssyncadd.tile.s32 @!p0 $0x1;
	_ =	shalt  }
.Lfunc_end2:
_tile_overlayer_lowered:
.L_overlay_start_2:
0x31: {  	(tag) =	ssettag $0x2  }
0x32: {  	s0 =	rddreg [dreg:$0x0];
	s2 =	stileid.u32  }
0x33: {  	s1 =	rddreg [dreg:$0x1];
	p0 =	sne.s32 s2, $0x0  }
0x34: {  	s3 =	rddreg [dreg:$0x2];
	[bflag:$0x3] =	sbarrier.arrive $0xFFFF;
	s2 =	simm.s32 @!p0 $0x1C01  }
0x35: {  	[timem:s3], [sflag:s2] =	dma.local @!p0 [hbm:s0], s1  }
0x36: {  	s0 =	simm.s32 @!p0 $0x1  }
0x37: {  	_ =	swait.ge @!p0 [sflag:s0], s1  }
0x38: {  	s1 =	ssub.s32 @!p0 $0x0, s1;
	[sflag:s0] =	ssyncset.done @!p0 $0x0  }
0x39: {  	[sflag:s0] =	ssyncadd.s32 @!p0 s1  }
0x3a: {  	[bflag:$0x3] =	sbarrier.arrive $0xFFFF  }
0x3b: {  	_ =	shalt  }

</sc_bundles>
